<compile_context>
chip_gen: v7x
topology: tpu7x:2x2x1
jax: 0.10.2.dev20260603
libtpu: 0.0.44.dev20260713+nightly
codegen_flags: <defaults>
</compile_context>

<pallas_src>
import functools

import jax
import jax.numpy as jnp
import numpy as np
from jax import lax
from jax.experimental import pallas as pl
from jax.experimental.pallas import tpu as pltpu
from jax.experimental.pallas import tpu_sc as plsc

EMB = 16
NE = 8
NC, NS = 2, 16
NW = NC * NS
BN = 4096


def _tc_logits_body(x_ref, wr_ref, br_ref, o_ref):
    o_ref[...] = lax.dot_general(
        x_ref[...], wr_ref[...], (((1,), (0,)), ((), ())),
        precision=lax.Precision.DEFAULT,
        preferred_element_type=jnp.float32) + br_ref[...]


def _tc_expert_body(x_ref, g_ref, wall_ref, be_ref, s_ref, t_ref, o_ref):
    y = lax.dot_general(
        x_ref[...], wall_ref[...], (((1,), (0,)), ((), ())),
        precision=lax.Precision.DEFAULT,
        preferred_element_type=jnp.float32) + be_ref[...]
    ws = lax.dot_general(
        g_ref[...], s_ref[...], (((1,), (0,)), ((), ())),
        precision=lax.Precision.DEFAULT,
        preferred_element_type=jnp.float32)
    o_ref[...] = lax.dot_general(
        y * ws, t_ref[...], (((1,), (0,)), ((), ())),
        precision=lax.Precision.DEFAULT,
        preferred_element_type=jnp.float32)


PACK = 16


def _sc_route_body(n_tok, lg_hbm, g_hbm, lg_v, g_v):
    tok_w = n_tok // NW
    words = tok_w * NE
    blocks = tok_w // 16

    cid = lax.axis_index("c")
    sid = lax.axis_index("s")
    wid = sid * NC + cid

    pltpu.sync_copy(lg_hbm.at[pl.ds(wid * words, words)], lg_v)

    def vexp(v):
        t = v * jnp.float32(1.4426950408889634)
        t = jnp.maximum(t, jnp.float32(-126.0))
        magic = jnp.float32(12582912.0)
        n = (t + magic) - magic
        f = t - n
        ni = n.astype(jnp.int32)
        p = jnp.float32(0.00015403530393381608)
        p = p * f + jnp.float32(0.0013333558146428443)
        p = p * f + jnp.float32(0.009618129107628477)
        p = p * f + jnp.float32(0.05550410866482158)
        p = p * f + jnp.float32(0.2402265069591007)
        p = p * f + jnp.float32(0.6931471805599453)
        p = p * f + jnp.float32(1.0)
        scale = plsc.bitcast((ni + 127) << 23, jnp.float32)
        return p * scale

    iota = lax.iota(jnp.int32, 16)
    lane8 = iota * NE
    neg = jnp.full((16,), -3.0e38, jnp.float32)
    zero = jnp.zeros((16,), jnp.float32)

    def block(b, carry):
        base8 = lane8 + b * (16 * NE)
        logits = [plsc.load_gather(lg_v, [base8 + e]) for e in range(NE)]

        best1 = logits[0]
        idx1 = jnp.zeros((16,), jnp.int32)
        for e in range(1, NE):
            c = logits[e] > best1
            best1 = jnp.where(c, logits[e], best1)
            idx1 = jnp.where(c, jnp.int32(e), idx1)
        best2 = neg
        idx2 = jnp.zeros((16,), jnp.int32)
        for e in range(NE):
            le = jnp.where(idx1 == e, neg, logits[e])
            c = le > best2
            best2 = jnp.where(c, le, best2)
            idx2 = jnp.where(c, jnp.int32(e), idx2)

        s = zero
        for e in range(NE):
            s = s + vexp(logits[e] - best1)
        r = 1.0 / s
        r = r + r * (jnp.float32(1.0) - s * r)
        g1 = r
        g2 = vexp(best2 - best1) * r

        for e in range(NE):
            ge = jnp.where(idx1 == e, g1, jnp.where(idx2 == e, g2, zero))
            plsc.store_scatter(g_v, [base8 + e], ge)
        return carry

    lax.fori_loop(0, blocks, block, 0)
    pltpu.sync_copy(g_v, g_hbm.at[pl.ds(wid * words, words)])


@jax.jit
def _moe_call(xp, wrbd, brt, wallbd, bet, sbd, tbd):
    rows = xp.shape[0]
    n = rows * PACK
    gl = PACK * NE

    logits = pl.pallas_call(
        _tc_logits_body,
        grid=(2,),
        in_specs=[
            pl.BlockSpec((rows // 2, PACK * EMB), lambda i: (i, 0)),
            pl.BlockSpec((PACK * EMB, gl), lambda i: (0, 0)),
            pl.BlockSpec((1, gl), lambda i: (0, 0)),
        ],
        out_specs=pl.BlockSpec((rows // 2, gl), lambda i: (i, 0)),
        out_shape=jax.ShapeDtypeStruct((rows, gl), jnp.float32),
    )(xp, wrbd, brt)

    words = (n // NW) * NE
    route = pl.kernel(
        functools.partial(_sc_route_body, n),
        out_type=jax.ShapeDtypeStruct((n * NE,), jnp.float32),
        mesh=plsc.VectorSubcoreMesh(core_axis_name="c", subcore_axis_name="s",
                                    num_cores=NC, num_subcores=NS),
        scratch_types=[
            pltpu.VMEM((words,), jnp.float32),
            pltpu.VMEM((words,), jnp.float32),
        ],
        compiler_params=pltpu.CompilerParams(needs_layout_passes=False),
    )
    gates = route(logits.reshape(-1)).reshape(rows, gl)

    out = pl.pallas_call(
        _tc_expert_body,
        grid=(4,),
        in_specs=[
            pl.BlockSpec((rows // 4, PACK * EMB), lambda i: (i, 0)),
            pl.BlockSpec((rows // 4, gl), lambda i: (i, 0)),
            pl.BlockSpec((PACK * EMB, PACK * NE * EMB), lambda i: (0, 0)),
            pl.BlockSpec((1, PACK * NE * EMB), lambda i: (0, 0)),
            pl.BlockSpec((gl, PACK * NE * EMB), lambda i: (0, 0)),
            pl.BlockSpec((PACK * NE * EMB, PACK * EMB), lambda i: (0, 0)),
        ],
        out_specs=pl.BlockSpec((rows // 4, PACK * EMB), lambda i: (i, 0)),
        out_shape=jax.ShapeDtypeStruct((rows, PACK * EMB), jnp.float32),
    )(xp, gates, wallbd, bet, sbd, tbd)
    return out


_EYEP = np.eye(PACK, dtype=np.float32)
_SEL = np.repeat(np.eye(NE, dtype=np.float32), EMB, axis=1)
_SEG = np.tile(np.eye(EMB, dtype=np.float32), (NE, 1))
_SBD = np.kron(_EYEP, _SEL)
_TBD = np.kron(_EYEP, _SEG)


def kernel(x, Wr, br, We, be):
    n, emb = x.shape
    xp = x.reshape(n // PACK, PACK * emb)
    eyep = jnp.asarray(_EYEP)
    wrbd = jnp.kron(eyep, Wr)
    brt = jnp.tile(br, PACK).reshape(1, PACK * NE)
    wall = We.transpose(1, 0, 2).reshape(EMB, NE * EMB)
    wallbd = jnp.kron(eyep, wall)
    bet = jnp.tile(be.reshape(-1), PACK).reshape(1, PACK * NE * EMB)
    out = _moe_call(xp, wrbd, brt, wallbd, bet,
                    jnp.asarray(_SBD), jnp.asarray(_TBD))
    return out.reshape(n, emb)

# --- scband reference (transcript-rebuilt; emitter-appended) ---
"""Pipeline reference for scband-tiny-mo-e-75479755260558 (READ-ONLY COPY).

The authoritative reference and input builder live on the scoring server;
editing this copy changes nothing except your own understanding.
"""

import jax, jax.numpy as jnp
import numpy as np

EMB = 16
E = 8
K = 2
N_TOK = 32768


def setup_inputs(seed: int = 0) -> dict:
    key = jax.random.key(seed)
    ks = jax.random.split(key, 5)
    x = jax.random.normal(ks[0], (N_TOK, EMB), dtype=jnp.float32)
    Wr = jax.random.normal(ks[1], (EMB, E), dtype=jnp.float32) * 0.25
    br = jnp.zeros((E,), dtype=jnp.float32)
    We = jax.random.normal(ks[2], (E, EMB, EMB), dtype=jnp.float32) * 0.25
    be = jnp.zeros((E, EMB), dtype=jnp.float32)
    return {"x": x, "Wr": Wr, "br": br, "We": We, "be": be}


def reference(x, Wr, br, We, be):
    # Router: linear -> softmax gate probabilities, top-k expert selection
    logits = x @ Wr + br                      # [N, E]
    probs = jax.nn.softmax(logits, axis=-1)   # gate_out, [N, E]
    _, topk_idx = jax.lax.top_k(probs, K)     # [N, K]
    out = jnp.zeros_like(x)
    # Loop over experts, mirroring the torch per-expert masked dispatch.
    # Tokens routed to expert i (i appears in their top-k) get
    # expert_i(x) weighted by the gate probability probs[:, i].
    for i in range(E):
        mask = (topk_idx == i).any(axis=-1)   # [N]
        eo = x @ We[i] + be[i]                # Expert assumed to be a single Linear(emb_dim, emb_dim)
        out = out + jnp.where(mask[:, None], eo * probs[:, i:i + 1], 0.0)
    return out

if __name__ == "__main__":
    import jax
    _d = setup_inputs()
    print(jax.jit(kernel)(*tuple(_d.values())))

</pallas_src>

<mosaic_0001>
#map = affine_map<(d0, d1) -> (0)>
module attributes {stable_mosaic.version = 14 : i64} {
  func.func @_sc_route_body(%arg0: i32, %arg1: i32, %arg2: memref<262144xf32, #tpu.memory_space<hbm>>, %arg3: memref<262144xf32, #tpu.memory_space<hbm>>, %arg4: memref<8192xf32, #tpu.memory_space<vmem>>, %arg5: memref<8192xf32, #tpu.memory_space<vmem>>) attributes {dimension_semantics = [#tpu.dimension_semantics<core_parallel>, #tpu.dimension_semantics<subcore_parallel>], iteration_bounds = array<i64: 2, 16>, scalar_prefetch = 0 : i64, scratch_operands = 2 : i64, tpu.core_type = #tpu.core_type<sc_vector_subcore>, window_params = [{transform_indices = #map}, {transform_indices = #map}]} {
    %mul3A = arith.constant 2 : i32
    %mul3A_0 = arith.muli %arg1, %mul3A : i32
    %add3A = arith.addi %mul3A_0, %arg0 : i32
    %mul3A_1 = arith.constant 8192 : i32
    %mul3A_2 = arith.muli %add3A, %mul3A_1 : i32
    "tpu.region"() ({
      %run_scoped3A = tpu.sem_alloc : memref<!tpu.dma_semaphore, #tpu.memory_space<semaphore_mem>>
      %dma_start3A = tpu.memref_slice %arg2[%mul3A_2] : memref<262144xf32, #tpu.memory_space<hbm>> -> memref<8192xf32, #tpu.memory_space<hbm>>
      %dma_start3A_16 = tpu.memref_slice %arg2[%mul3A_2] : memref<262144xf32, #tpu.memory_space<hbm>> -> memref<8192xf32, #tpu.memory_space<hbm>>
      tpu.enqueue_dma source(%dma_start3A_16 : memref<8192xf32, #tpu.memory_space<hbm>>) target(%arg4 : memref<8192xf32, #tpu.memory_space<vmem>>) target_semaphore(%run_scoped3A : memref<!tpu.dma_semaphore, #tpu.memory_space<semaphore_mem>>)
      %dma_wait3A = tpu.memref_slice %arg2[%mul3A_2] : memref<262144xf32, #tpu.memory_space<hbm>> -> memref<8192xf32, #tpu.memory_space<hbm>>
      %dma_wait3A_17 = tpu.memref_slice %arg2[%mul3A_2] : memref<262144xf32, #tpu.memory_space<hbm>> -> memref<8192xf32, #tpu.memory_space<hbm>>
      tpu.wait_dma2 semaphore(%run_scoped3A : memref<!tpu.dma_semaphore, #tpu.memory_space<semaphore_mem>>) src(%dma_wait3A_17 : memref<8192xf32, #tpu.memory_space<hbm>>) dst(%arg4 : memref<8192xf32, #tpu.memory_space<vmem>>)
      tpu.yield
    }) : () -> ()
    %iota3A = tpu.iota {dimensions = array<i32: 0>} : vector<16xi32>
    %mul3A_3 = arith.constant 8 : i32
    %mul3A_4 = vector.broadcast %mul3A_3 : i32 to vector<16xi32>
    %mul3A_5 = arith.muli %iota3A, %mul3A_4 : vector<16xi32>
    %broadcast_in_dim3A = arith.constant -3.000000e+38 : f32
    %broadcast_in_dim3A_6 = vector.broadcast %broadcast_in_dim3A : f32 to vector<16xf32>
    %broadcast_in_dim3A_7 = arith.constant 0.000000e+00 : f32
    %broadcast_in_dim3A_8 = vector.broadcast %broadcast_in_dim3A_7 : f32 to vector<16xf32>
    %scan3A = arith.constant 0 : i32
    %scan3A_9 = arith.constant 0 : i32
    %scan3A_10 = arith.constant 64 : i32
    %scan3A_11 = arith.addi %scan3A_9, %scan3A_10 : i32
    %scan3A_12 = arith.constant 1 : i32
    scf.for %scan3A_16 = %scan3A_9 to %scan3A_11 step %scan3A_12  : i32 {
      %mul3A_17 = arith.constant 128 : i32
      %mul3A_18 = arith.muli %scan3A_16, %mul3A_17 : i32
      %add3A_19 = vector.broadcast %mul3A_18 : i32 to vector<16xi32>
      %add3A_20 = arith.addi %mul3A_5, %add3A_19 : vector<16xi32>
      %add3A_21 = arith.constant 0 : i32
      %add3A_22 = vector.broadcast %add3A_21 : i32 to vector<16xi32>
      %add3A_23 = arith.addi %add3A_20, %add3A_22 : vector<16xi32>
      %gather3A = tpu.vector_load_idx %arg4[%add3A_23] : memref<8192xf32, #tpu.memory_space<vmem>>[vector<16xi32>], vector<16xf32>,
      %add3A_24 = arith.constant 1 : i32
      %add3A_25 = vector.broadcast %add3A_24 : i32 to vector<16xi32>
      %add3A_26 = arith.addi %add3A_20, %add3A_25 : vector<16xi32>
      %gather3A_27 = tpu.vector_load_idx %arg4[%add3A_26] : memref<8192xf32, #tpu.memory_space<vmem>>[vector<16xi32>], vector<16xf32>,
      %add3A_28 = arith.constant 2 : i32
      %add3A_29 = vector.broadcast %add3A_28 : i32 to vector<16xi32>
      %add3A_30 = arith.addi %add3A_20, %add3A_29 : vector<16xi32>
      %gather3A_31 = tpu.vector_load_idx %arg4[%add3A_30] : memref<8192xf32, #tpu.memory_space<vmem>>[vector<16xi32>], vector<16xf32>,
      %add3A_32 = arith.constant 3 : i32
      %add3A_33 = vector.broadcast %add3A_32 : i32 to vector<16xi32>
      %add3A_34 = arith.addi %add3A_20, %add3A_33 : vector<16xi32>
      %gather3A_35 = tpu.vector_load_idx %arg4[%add3A_34] : memref<8192xf32, #tpu.memory_space<vmem>>[vector<16xi32>], vector<16xf32>,
      %add3A_36 = arith.constant 4 : i32
      %add3A_37 = vector.broadcast %add3A_36 : i32 to vector<16xi32>
      %add3A_38 = arith.addi %add3A_20, %add3A_37 : vector<16xi32>
      %gather3A_39 = tpu.vector_load_idx %arg4[%add3A_38] : memref<8192xf32, #tpu.memory_space<vmem>>[vector<16xi32>], vector<16xf32>,
      %add3A_40 = arith.constant 5 : i32
      %add3A_41 = vector.broadcast %add3A_40 : i32 to vector<16xi32>
      %add3A_42 = arith.addi %add3A_20, %add3A_41 : vector<16xi32>
      %gather3A_43 = tpu.vector_load_idx %arg4[%add3A_42] : memref<8192xf32, #tpu.memory_space<vmem>>[vector<16xi32>], vector<16xf32>,
      %add3A_44 = arith.constant 6 : i32
      %add3A_45 = vector.broadcast %add3A_44 : i32 to vector<16xi32>
      %add3A_46 = arith.addi %add3A_20, %add3A_45 : vector<16xi32>
      %gather3A_47 = tpu.vector_load_idx %arg4[%add3A_46] : memref<8192xf32, #tpu.memory_space<vmem>>[vector<16xi32>], vector<16xf32>,
      %add3A_48 = arith.constant 7 : i32
      %add3A_49 = vector.broadcast %add3A_48 : i32 to vector<16xi32>
      %add3A_50 = arith.addi %add3A_20, %add3A_49 : vector<16xi32>
      %gather3A_51 = tpu.vector_load_idx %arg4[%add3A_50] : memref<8192xf32, #tpu.memory_space<vmem>>[vector<16xi32>], vector<16xf32>,
      %broadcast_in_dim3A_52 = arith.constant 0 : i32
      %broadcast_in_dim3A_53 = vector.broadcast %broadcast_in_dim3A_52 : i32 to vector<16xi32>
      %gt3A = arith.cmpf ogt, %gather3A_27, %gather3A : vector<16xf32>
      %select_n3A = arith.select %gt3A, %gather3A_27, %gather3A : vector<16xi1>, vector<16xf32>
      %jit3A = arith.constant 1 : i32
      %broadcast_in_dim3A_54 = vector.broadcast %jit3A : i32 to vector<16xi32>
      %select_n3A_55 = arith.select %gt3A, %broadcast_in_dim3A_54, %broadcast_in_dim3A_53 : vector<16xi1>, vector<16xi32>
      %gt3A_56 = arith.cmpf ogt, %gather3A_31, %select_n3A : vector<16xf32>
      %select_n3A_57 = arith.select %gt3A_56, %gather3A_31, %select_n3A : vector<16xi1>, vector<16xf32>
      %jit3A_58 = arith.constant 2 : i32
      %broadcast_in_dim3A_59 = vector.broadcast %jit3A_58 : i32 to vector<16xi32>
      %select_n3A_60 = arith.select %gt3A_56, %broadcast_in_dim3A_59, %select_n3A_55 : vector<16xi1>, vector<16xi32>
      %gt3A_61 = arith.cmpf ogt, %gather3A_35, %select_n3A_57 : vector<16xf32>
      %select_n3A_62 = arith.select %gt3A_61, %gather3A_35, %select_n3A_57 : vector<16xi1>, vector<16xf32>
      %jit3A_63 = arith.constant 3 : i32
      %broadcast_in_dim3A_64 = vector.broadcast %jit3A_63 : i32 to vector<16xi32>
      %select_n3A_65 = arith.select %gt3A_61, %broadcast_in_dim3A_64, %select_n3A_60 : vector<16xi1>, vector<16xi32>
      %gt3A_66 = arith.cmpf ogt, %gather3A_39, %select_n3A_62 : vector<16xf32>
      %select_n3A_67 = arith.select %gt3A_66, %gather3A_39, %select_n3A_62 : vector<16xi1>, vector<16xf32>
      %jit3A_68 = arith.constant 4 : i32
      %broadcast_in_dim3A_69 = vector.broadcast %jit3A_68 : i32 to vector<16xi32>
      %select_n3A_70 = arith.select %gt3A_66, %broadcast_in_dim3A_69, %select_n3A_65 : vector<16xi1>, vector<16xi32>
      %gt3A_71 = arith.cmpf ogt, %gather3A_43, %select_n3A_67 : vector<16xf32>
      %select_n3A_72 = arith.select %gt3A_71, %gather3A_43, %select_n3A_67 : vector<16xi1>, vector<16xf32>
      %jit3A_73 = arith.constant 5 : i32
      %broadcast_in_dim3A_74 = vector.broadcast %jit3A_73 : i32 to vector<16xi32>
      %select_n3A_75 = arith.select %gt3A_71, %broadcast_in_dim3A_74, %select_n3A_70 : vector<16xi1>, vector<16xi32>
      %gt3A_76 = arith.cmpf ogt, %gather3A_47, %select_n3A_72 : vector<16xf32>
      %select_n3A_77 = arith.select %gt3A_76, %gather3A_47, %select_n3A_72 : vector<16xi1>, vector<16xf32>
      %jit3A_78 = arith.constant 6 : i32
      %broadcast_in_dim3A_79 = vector.broadcast %jit3A_78 : i32 to vector<16xi32>
      %select_n3A_80 = arith.select %gt3A_76, %broadcast_in_dim3A_79, %select_n3A_75 : vector<16xi1>, vector<16xi32>
      %gt3A_81 = arith.cmpf ogt, %gather3A_51, %select_n3A_77 : vector<16xf32>
      %select_n3A_82 = arith.select %gt3A_81, %gather3A_51, %select_n3A_77 : vector<16xi1>, vector<16xf32>
      %jit3A_83 = arith.constant 7 : i32
      %broadcast_in_dim3A_84 = vector.broadcast %jit3A_83 : i32 to vector<16xi32>
      %select_n3A_85 = arith.select %gt3A_81, %broadcast_in_dim3A_84, %select_n3A_80 : vector<16xi1>, vector<16xi32>
      %broadcast_in_dim3A_86 = arith.constant 0 : i32
      %broadcast_in_dim3A_87 = vector.broadcast %broadcast_in_dim3A_86 : i32 to vector<16xi32>
      %eq3A = arith.constant 0 : i32
      %eq3A_88 = vector.broadcast %eq3A : i32 to vector<16xi32>
      %eq3A_89 = arith.cmpi eq, %select_n3A_85, %eq3A_88 : vector<16xi32>
      %select_n3A_90 = arith.select %eq3A_89, %broadcast_in_dim3A_6, %gather3A : vector<16xi1>, vector<16xf32>
      %gt3A_91 = arith.cmpf ogt, %select_n3A_90, %broadcast_in_dim3A_6 : vector<16xf32>
      %select_n3A_92 = arith.select %gt3A_91, %select_n3A_90, %broadcast_in_dim3A_6 : vector<16xi1>, vector<16xf32>
      %jit3A_93 = arith.constant 0 : i32
      %broadcast_in_dim3A_94 = vector.broadcast %jit3A_93 : i32 to vector<16xi32>
      %select_n3A_95 = arith.select %gt3A_91, %broadcast_in_dim3A_94, %broadcast_in_dim3A_87 : vector<16xi1>, vector<16xi32>
      %eq3A_96 = arith.constant 1 : i32
      %eq3A_97 = vector.broadcast %eq3A_96 : i32 to vector<16xi32>
      %eq3A_98 = arith.cmpi eq, %select_n3A_85, %eq3A_97 : vector<16xi32>
      %select_n3A_99 = arith.select %eq3A_98, %broadcast_in_dim3A_6, %gather3A_27 : vector<16xi1>, vector<16xf32>
      %gt3A_100 = arith.cmpf ogt, %select_n3A_99, %select_n3A_92 : vector<16xf32>
      %select_n3A_101 = arith.select %gt3A_100, %select_n3A_99, %select_n3A_92 : vector<16xi1>, vector<16xf32>
      %jit3A_102 = arith.constant 1 : i32
      %broadcast_in_dim3A_103 = vector.broadcast %jit3A_102 : i32 to vector<16xi32>
      %select_n3A_104 = arith.select %gt3A_100, %broadcast_in_dim3A_103, %select_n3A_95 : vector<16xi1>, vector<16xi32>
      %eq3A_105 = arith.constant 2 : i32
      %eq3A_106 = vector.broadcast %eq3A_105 : i32 to vector<16xi32>
      %eq3A_107 = arith.cmpi eq, %select_n3A_85, %eq3A_106 : vector<16xi32>
      %select_n3A_108 = arith.select %eq3A_107, %broadcast_in_dim3A_6, %gather3A_31 : vector<16xi1>, vector<16xf32>
      %gt3A_109 = arith.cmpf ogt, %select_n3A_108, %select_n3A_101 : vector<16xf32>
      %select_n3A_110 = arith.select %gt3A_109, %select_n3A_108, %select_n3A_101 : vector<16xi1>, vector<16xf32>
      %jit3A_111 = arith.constant 2 : i32
      %broadcast_in_dim3A_112 = vector.broadcast %jit3A_111 : i32 to vector<16xi32>
      %select_n3A_113 = arith.select %gt3A_109, %broadcast_in_dim3A_112, %select_n3A_104 : vector<16xi1>, vector<16xi32>
      %eq3A_114 = arith.constant 3 : i32
      %eq3A_115 = vector.broadcast %eq3A_114 : i32 to vector<16xi32>
      %eq3A_116 = arith.cmpi eq, %select_n3A_85, %eq3A_115 : vector<16xi32>
      %select_n3A_117 = arith.select %eq3A_116, %broadcast_in_dim3A_6, %gather3A_35 : vector<16xi1>, vector<16xf32>
      %gt3A_118 = arith.cmpf ogt, %select_n3A_117, %select_n3A_110 : vector<16xf32>
      %select_n3A_119 = arith.select %gt3A_118, %select_n3A_117, %select_n3A_110 : vector<16xi1>, vector<16xf32>
      %jit3A_120 = arith.constant 3 : i32
      %broadcast_in_dim3A_121 = vector.broadcast %jit3A_120 : i32 to vector<16xi32>
      %select_n3A_122 = arith.select %gt3A_118, %broadcast_in_dim3A_121, %select_n3A_113 : vector<16xi1>, vector<16xi32>
      %eq3A_123 = arith.constant 4 : i32
      %eq3A_124 = vector.broadcast %eq3A_123 : i32 to vector<16xi32>
      %eq3A_125 = arith.cmpi eq, %select_n3A_85, %eq3A_124 : vector<16xi32>
      %select_n3A_126 = arith.select %eq3A_125, %broadcast_in_dim3A_6, %gather3A_39 : vector<16xi1>, vector<16xf32>
      %gt3A_127 = arith.cmpf ogt, %select_n3A_126, %select_n3A_119 : vector<16xf32>
      %select_n3A_128 = arith.select %gt3A_127, %select_n3A_126, %select_n3A_119 : vector<16xi1>, vector<16xf32>
      %jit3A_129 = arith.constant 4 : i32
      %broadcast_in_dim3A_130 = vector.broadcast %jit3A_129 : i32 to vector<16xi32>
      %select_n3A_131 = arith.select %gt3A_127, %broadcast_in_dim3A_130, %select_n3A_122 : vector<16xi1>, vector<16xi32>
      %eq3A_132 = arith.constant 5 : i32
      %eq3A_133 = vector.broadcast %eq3A_132 : i32 to vector<16xi32>
      %eq3A_134 = arith.cmpi eq, %select_n3A_85, %eq3A_133 : vector<16xi32>
      %select_n3A_135 = arith.select %eq3A_134, %broadcast_in_dim3A_6, %gather3A_43 : vector<16xi1>, vector<16xf32>
      %gt3A_136 = arith.cmpf ogt, %select_n3A_135, %select_n3A_128 : vector<16xf32>
      %select_n3A_137 = arith.select %gt3A_136, %select_n3A_135, %select_n3A_128 : vector<16xi1>, vector<16xf32>
      %jit3A_138 = arith.constant 5 : i32
      %broadcast_in_dim3A_139 = vector.broadcast %jit3A_138 : i32 to vector<16xi32>
      %select_n3A_140 = arith.select %gt3A_136, %broadcast_in_dim3A_139, %select_n3A_131 : vector<16xi1>, vector<16xi32>
      %eq3A_141 = arith.constant 6 : i32
      %eq3A_142 = vector.broadcast %eq3A_141 : i32 to vector<16xi32>
      %eq3A_143 = arith.cmpi eq, %select_n3A_85, %eq3A_142 : vector<16xi32>
      %select_n3A_144 = arith.select %eq3A_143, %broadcast_in_dim3A_6, %gather3A_47 : vector<16xi1>, vector<16xf32>
      %gt3A_145 = arith.cmpf ogt, %select_n3A_144, %select_n3A_137 : vector<16xf32>
      %select_n3A_146 = arith.select %gt3A_145, %select_n3A_144, %select_n3A_137 : vector<16xi1>, vector<16xf32>
      %jit3A_147 = arith.constant 6 : i32
      %broadcast_in_dim3A_148 = vector.broadcast %jit3A_147 : i32 to vector<16xi32>
      %select_n3A_149 = arith.select %gt3A_145, %broadcast_in_dim3A_148, %select_n3A_140 : vector<16xi1>, vector<16xi32>
      %eq3A_150 = arith.constant 7 : i32
      %eq3A_151 = vector.broadcast %eq3A_150 : i32 to vector<16xi32>
      %eq3A_152 = arith.cmpi eq, %select_n3A_85, %eq3A_151 : vector<16xi32>
      %select_n3A_153 = arith.select %eq3A_152, %broadcast_in_dim3A_6, %gather3A_51 : vector<16xi1>, vector<16xf32>
      %gt3A_154 = arith.cmpf ogt, %select_n3A_153, %select_n3A_146 : vector<16xf32>
      %select_n3A_155 = arith.select %gt3A_154, %select_n3A_153, %select_n3A_146 : vector<16xi1>, vector<16xf32>
      %jit3A_156 = arith.constant 7 : i32
      %broadcast_in_dim3A_157 = vector.broadcast %jit3A_156 : i32 to vector<16xi32>
      %select_n3A_158 = arith.select %gt3A_154, %broadcast_in_dim3A_157, %select_n3A_149 : vector<16xi1>, vector<16xi32>
      %sub3A = arith.subf %gather3A, %select_n3A_82 : vector<16xf32>
      %mul3A_159 = arith.constant 1.44269502 : f32
      %mul3A_160 = vector.broadcast %mul3A_159 : f32 to vector<16xf32>
      %mul3A_161 = arith.mulf %sub3A, %mul3A_160 : vector<16xf32>
      %max3A = arith.constant -1.260000e+02 : f32
      %max3A_162 = vector.broadcast %max3A : f32 to vector<16xf32>
      %max3A_163 = arith.maximumf %mul3A_161, %max3A_162 : vector<16xf32>
      %add3A_164 = arith.constant 0x4B400000 : f32
      %add3A_165 = vector.broadcast %add3A_164 : f32 to vector<16xf32>
      %add3A_166 = arith.addf %max3A_163, %add3A_165 : vector<16xf32>
      %sub3A_167 = arith.constant 0x4B400000 : f32
      %sub3A_168 = vector.broadcast %sub3A_167 : f32 to vector<16xf32>
      %sub3A_169 = arith.subf %add3A_166, %sub3A_168 : vector<16xf32>
      %sub3A_170 = arith.subf %max3A_163, %sub3A_169 : vector<16xf32>
      %convert_element_type3A = arith.fptosi %sub3A_169 : vector<16xf32> to vector<16xi32>
      %mul3A_171 = arith.constant 1.54035297E-4 : f32
      %mul3A_172 = vector.broadcast %mul3A_171 : f32 to vector<16xf32>
      %mul3A_173 = arith.mulf %mul3A_172, %sub3A_170 : vector<16xf32>
      %add3A_174 = arith.constant 0.00133335579 : f32
      %add3A_175 = vector.broadcast %add3A_174 : f32 to vector<16xf32>
      %add3A_176 = arith.addf %mul3A_173, %add3A_175 : vector<16xf32>
      %mul3A_177 = arith.mulf %add3A_176, %sub3A_170 : vector<16xf32>
      %add3A_178 = arith.constant 0.00961812865 : f32
      %add3A_179 = vector.broadcast %add3A_178 : f32 to vector<16xf32>
      %add3A_180 = arith.addf %mul3A_177, %add3A_179 : vector<16xf32>
      %mul3A_181 = arith.mulf %add3A_180, %sub3A_170 : vector<16xf32>
      %add3A_182 = arith.constant 0.0555041097 : f32
      %add3A_183 = vector.broadcast %add3A_182 : f32 to vector<16xf32>
      %add3A_184 = arith.addf %mul3A_181, %add3A_183 : vector<16xf32>
      %mul3A_185 = arith.mulf %add3A_184, %sub3A_170 : vector<16xf32>
      %add3A_186 = arith.constant 0.240226507 : f32
      %add3A_187 = vector.broadcast %add3A_186 : f32 to vector<16xf32>
      %add3A_188 = arith.addf %mul3A_185, %add3A_187 : vector<16xf32>
      %mul3A_189 = arith.mulf %add3A_188, %sub3A_170 : vector<16xf32>
      %add3A_190 = arith.constant 0.693147182 : f32
      %add3A_191 = vector.broadcast %add3A_190 : f32 to vector<16xf32>
      %add3A_192 = arith.addf %mul3A_189, %add3A_191 : vector<16xf32>
      %mul3A_193 = arith.mulf %add3A_192, %sub3A_170 : vector<16xf32>
      %add3A_194 = arith.constant 1.000000e+00 : f32
      %add3A_195 = vector.broadcast %add3A_194 : f32 to vector<16xf32>
      %add3A_196 = arith.addf %mul3A_193, %add3A_195 : vector<16xf32>
      %add3A_197 = arith.constant 127 : i32
      %add3A_198 = vector.broadcast %add3A_197 : i32 to vector<16xi32>
      %add3A_199 = arith.addi %convert_element_type3A, %add3A_198 : vector<16xi32>
      %shift_left3A = arith.constant 23 : i32
      %shift_left3A_200 = vector.broadcast %shift_left3A : i32 to vector<16xi32>
      %shift_left3A_201 = arith.shli %add3A_199, %shift_left3A_200 : vector<16xi32>
      %bitcast3A = vector.bitcast %shift_left3A_201 : vector<16xi32> to vector<16xf32>
      %mul3A_202 = arith.mulf %add3A_196, %bitcast3A : vector<16xf32>
      %add3A_203 = arith.addf %broadcast_in_dim3A_8, %mul3A_202 : vector<16xf32>
      %sub3A_204 = arith.subf %gather3A_27, %select_n3A_82 : vector<16xf32>
      %mul3A_205 = arith.constant 1.44269502 : f32
      %mul3A_206 = vector.broadcast %mul3A_205 : f32 to vector<16xf32>
      %mul3A_207 = arith.mulf %sub3A_204, %mul3A_206 : vector<16xf32>
      %max3A_208 = arith.constant -1.260000e+02 : f32
      %max3A_209 = vector.broadcast %max3A_208 : f32 to vector<16xf32>
      %max3A_210 = arith.maximumf %mul3A_207, %max3A_209 : vector<16xf32>
      %add3A_211 = arith.constant 0x4B400000 : f32
      %add3A_212 = vector.broadcast %add3A_211 : f32 to vector<16xf32>
      %add3A_213 = arith.addf %max3A_210, %add3A_212 : vector<16xf32>
      %sub3A_214 = arith.constant 0x4B400000 : f32
      %sub3A_215 = vector.broadcast %sub3A_214 : f32 to vector<16xf32>
      %sub3A_216 = arith.subf %add3A_213, %sub3A_215 : vector<16xf32>
      %sub3A_217 = arith.subf %max3A_210, %sub3A_216 : vector<16xf32>
      %convert_element_type3A_218 = arith.fptosi %sub3A_216 : vector<16xf32> to vector<16xi32>
      %mul3A_219 = arith.constant 1.54035297E-4 : f32
      %mul3A_220 = vector.broadcast %mul3A_219 : f32 to vector<16xf32>
      %mul3A_221 = arith.mulf %mul3A_220, %sub3A_217 : vector<16xf32>
      %add3A_222 = arith.constant 0.00133335579 : f32
      %add3A_223 = vector.broadcast %add3A_222 : f32 to vector<16xf32>
      %add3A_224 = arith.addf %mul3A_221, %add3A_223 : vector<16xf32>
      %mul3A_225 = arith.mulf %add3A_224, %sub3A_217 : vector<16xf32>
      %add3A_226 = arith.constant 0.00961812865 : f32
      %add3A_227 = vector.broadcast %add3A_226 : f32 to vector<16xf32>
      %add3A_228 = arith.addf %mul3A_225, %add3A_227 : vector<16xf32>
      %mul3A_229 = arith.mulf %add3A_228, %sub3A_217 : vector<16xf32>
      %add3A_230 = arith.constant 0.0555041097 : f32
      %add3A_231 = vector.broadcast %add3A_230 : f32 to vector<16xf32>
      %add3A_232 = arith.addf %mul3A_229, %add3A_231 : vector<16xf32>
      %mul3A_233 = arith.mulf %add3A_232, %sub3A_217 : vector<16xf32>
      %add3A_234 = arith.constant 0.240226507 : f32
      %add3A_235 = vector.broadcast %add3A_234 : f32 to vector<16xf32>
      %add3A_236 = arith.addf %mul3A_233, %add3A_235 : vector<16xf32>
      %mul3A_237 = arith.mulf %add3A_236, %sub3A_217 : vector<16xf32>
      %add3A_238 = arith.constant 0.693147182 : f32
      %add3A_239 = vector.broadcast %add3A_238 : f32 to vector<16xf32>
      %add3A_240 = arith.addf %mul3A_237, %add3A_239 : vector<16xf32>
      %mul3A_241 = arith.mulf %add3A_240, %sub3A_217 : vector<16xf32>
      %add3A_242 = arith.constant 1.000000e+00 : f32
      %add3A_243 = vector.broadcast %add3A_242 : f32 to vector<16xf32>
      %add3A_244 = arith.addf %mul3A_241, %add3A_243 : vector<16xf32>
      %add3A_245 = arith.constant 127 : i32
      %add3A_246 = vector.broadcast %add3A_245 : i32 to vector<16xi32>
      %add3A_247 = arith.addi %convert_element_type3A_218, %add3A_246 : vector<16xi32>
      %shift_left3A_248 = arith.constant 23 : i32
      %shift_left3A_249 = vector.broadcast %shift_left3A_248 : i32 to vector<16xi32>
      %shift_left3A_250 = arith.shli %add3A_247, %shift_left3A_249 : vector<16xi32>
      %bitcast3A_251 = vector.bitcast %shift_left3A_250 : vector<16xi32> to vector<16xf32>
      %mul3A_252 = arith.mulf %add3A_244, %bitcast3A_251 : vector<16xf32>
      %add3A_253 = arith.addf %add3A_203, %mul3A_252 : vector<16xf32>
      %sub3A_254 = arith.subf %gather3A_31, %select_n3A_82 : vector<16xf32>
      %mul3A_255 = arith.constant 1.44269502 : f32
      %mul3A_256 = vector.broadcast %mul3A_255 : f32 to vector<16xf32>
      %mul3A_257 = arith.mulf %sub3A_254, %mul3A_256 : vector<16xf32>
      %max3A_258 = arith.constant -1.260000e+02 : f32
      %max3A_259 = vector.broadcast %max3A_258 : f32 to vector<16xf32>
      %max3A_260 = arith.maximumf %mul3A_257, %max3A_259 : vector<16xf32>
      %add3A_261 = arith.constant 0x4B400000 : f32
      %add3A_262 = vector.broadcast %add3A_261 : f32 to vector<16xf32>
      %add3A_263 = arith.addf %max3A_260, %add3A_262 : vector<16xf32>
      %sub3A_264 = arith.constant 0x4B400000 : f32
      %sub3A_265 = vector.broadcast %sub3A_264 : f32 to vector<16xf32>
      %sub3A_266 = arith.subf %add3A_263, %sub3A_265 : vector<16xf32>
      %sub3A_267 = arith.subf %max3A_260, %sub3A_266 : vector<16xf32>
      %convert_element_type3A_268 = arith.fptosi %sub3A_266 : vector<16xf32> to vector<16xi32>
      %mul3A_269 = arith.constant 1.54035297E-4 : f32
      %mul3A_270 = vector.broadcast %mul3A_269 : f32 to vector<16xf32>
      %mul3A_271 = arith.mulf %mul3A_270, %sub3A_267 : vector<16xf32>
      %add3A_272 = arith.constant 0.00133335579 : f32
      %add3A_273 = vector.broadcast %add3A_272 : f32 to vector<16xf32>
      %add3A_274 = arith.addf %mul3A_271, %add3A_273 : vector<16xf32>
      %mul3A_275 = arith.mulf %add3A_274, %sub3A_267 : vector<16xf32>
      %add3A_276 = arith.constant 0.00961812865 : f32
      %add3A_277 = vector.broadcast %add3A_276 : f32 to vector<16xf32>
      %add3A_278 = arith.addf %mul3A_275, %add3A_277 : vector<16xf32>
      %mul3A_279 = arith.mulf %add3A_278, %sub3A_267 : vector<16xf32>
      %add3A_280 = arith.constant 0.0555041097 : f32
      %add3A_281 = vector.broadcast %add3A_280 : f32 to vector<16xf32>
      %add3A_282 = arith.addf %mul3A_279, %add3A_281 : vector<16xf32>
      %mul3A_283 = arith.mulf %add3A_282, %sub3A_267 : vector<16xf32>
      %add3A_284 = arith.constant 0.240226507 : f32
      %add3A_285 = vector.broadcast %add3A_284 : f32 to vector<16xf32>
      %add3A_286 = arith.addf %mul3A_283, %add3A_285 : vector<16xf32>
      %mul3A_287 = arith.mulf %add3A_286, %sub3A_267 : vector<16xf32>
      %add3A_288 = arith.constant 0.693147182 : f32
      %add3A_289 = vector.broadcast %add3A_288 : f32 to vector<16xf32>
      %add3A_290 = arith.addf %mul3A_287, %add3A_289 : vector<16xf32>
      %mul3A_291 = arith.mulf %add3A_290, %sub3A_267 : vector<16xf32>
      %add3A_292 = arith.constant 1.000000e+00 : f32
      %add3A_293 = vector.broadcast %add3A_292 : f32 to vector<16xf32>
      %add3A_294 = arith.addf %mul3A_291, %add3A_293 : vector<16xf32>
      %add3A_295 = arith.constant 127 : i32
      %add3A_296 = vector.broadcast %add3A_295 : i32 to vector<16xi32>
      %add3A_297 = arith.addi %convert_element_type3A_268, %add3A_296 : vector<16xi32>
      %shift_left3A_298 = arith.constant 23 : i32
      %shift_left3A_299 = vector.broadcast %shift_left3A_298 : i32 to vector<16xi32>
      %shift_left3A_300 = arith.shli %add3A_297, %shift_left3A_299 : vector<16xi32>
      %bitcast3A_301 = vector.bitcast %shift_left3A_300 : vector<16xi32> to vector<16xf32>
      %mul3A_302 = arith.mulf %add3A_294, %bitcast3A_301 : vector<16xf32>
      %add3A_303 = arith.addf %add3A_253, %mul3A_302 : vector<16xf32>
      %sub3A_304 = arith.subf %gather3A_35, %select_n3A_82 : vector<16xf32>
      %mul3A_305 = arith.constant 1.44269502 : f32
      %mul3A_306 = vector.broadcast %mul3A_305 : f32 to vector<16xf32>
      %mul3A_307 = arith.mulf %sub3A_304, %mul3A_306 : vector<16xf32>
      %max3A_308 = arith.constant -1.260000e+02 : f32
      %max3A_309 = vector.broadcast %max3A_308 : f32 to vector<16xf32>
      %max3A_310 = arith.maximumf %mul3A_307, %max3A_309 : vector<16xf32>
      %add3A_311 = arith.constant 0x4B400000 : f32
      %add3A_312 = vector.broadcast %add3A_311 : f32 to vector<16xf32>
      %add3A_313 = arith.addf %max3A_310, %add3A_312 : vector<16xf32>
      %sub3A_314 = arith.constant 0x4B400000 : f32
      %sub3A_315 = vector.broadcast %sub3A_314 : f32 to vector<16xf32>
      %sub3A_316 = arith.subf %add3A_313, %sub3A_315 : vector<16xf32>
      %sub3A_317 = arith.subf %max3A_310, %sub3A_316 : vector<16xf32>
      %convert_element_type3A_318 = arith.fptosi %sub3A_316 : vector<16xf32> to vector<16xi32>
      %mul3A_319 = arith.constant 1.54035297E-4 : f32
      %mul3A_320 = vector.broadcast %mul3A_319 : f32 to vector<16xf32>
      %mul3A_321 = arith.mulf %mul3A_320, %sub3A_317 : vector<16xf32>
      %add3A_322 = arith.constant 0.00133335579 : f32
      %add3A_323 = vector.broadcast %add3A_322 : f32 to vector<16xf32>
      %add3A_324 = arith.addf %mul3A_321, %add3A_323 : vector<16xf32>
      %mul3A_325 = arith.mulf %add3A_324, %sub3A_317 : vector<16xf32>
      %add3A_326 = arith.constant 0.00961812865 : f32
      %add3A_327 = vector.broadcast %add3A_326 : f32 to vector<16xf32>
      %add3A_328 = arith.addf %mul3A_325, %add3A_327 : vector<16xf32>
      %mul3A_329 = arith.mulf %add3A_328, %sub3A_317 : vector<16xf32>
      %add3A_330 = arith.constant 0.0555041097 : f32
      %add3A_331 = vector.broadcast %add3A_330 : f32 to vector<16xf32>
      %add3A_332 = arith.addf %mul3A_329, %add3A_331 : vector<16xf32>
      %mul3A_333 = arith.mulf %add3A_332, %sub3A_317 : vector<16xf32>
      %add3A_334 = arith.constant 0.240226507 : f32
      %add3A_335 = vector.broadcast %add3A_334 : f32 to vector<16xf32>
      %add3A_336 = arith.addf %mul3A_333, %add3A_335 : vector<16xf32>
      %mul3A_337 = arith.mulf %add3A_336, %sub3A_317 : vector<16xf32>
      %add3A_338 = arith.constant 0.693147182 : f32
      %add3A_339 = vector.broadcast %add3A_338 : f32 to vector<16xf32>
      %add3A_340 = arith.addf %mul3A_337, %add3A_339 : vector<16xf32>
      %mul3A_341 = arith.mulf %add3A_340, %sub3A_317 : vector<16xf32>
      %add3A_342 = arith.constant 1.000000e+00 : f32
      %add3A_343 = vector.broadcast %add3A_342 : f32 to vector<16xf32>
      %add3A_344 = arith.addf %mul3A_341, %add3A_343 : vector<16xf32>
      %add3A_345 = arith.constant 127 : i32
      %add3A_346 = vector.broadcast %add3A_345 : i32 to vector<16xi32>
      %add3A_347 = arith.addi %convert_element_type3A_318, %add3A_346 : vector<16xi32>
      %shift_left3A_348 = arith.constant 23 : i32
      %shift_left3A_349 = vector.broadcast %shift_left3A_348 : i32 to vector<16xi32>
      %shift_left3A_350 = arith.shli %add3A_347, %shift_left3A_349 : vector<16xi32>
      %bitcast3A_351 = vector.bitcast %shift_left3A_350 : vector<16xi32> to vector<16xf32>
      %mul3A_352 = arith.mulf %add3A_344, %bitcast3A_351 : vector<16xf32>
      %add3A_353 = arith.addf %add3A_303, %mul3A_352 : vector<16xf32>
      %sub3A_354 = arith.subf %gather3A_39, %select_n3A_82 : vector<16xf32>
      %mul3A_355 = arith.constant 1.44269502 : f32
      %mul3A_356 = vector.broadcast %mul3A_355 : f32 to vector<16xf32>
      %mul3A_357 = arith.mulf %sub3A_354, %mul3A_356 : vector<16xf32>
      %max3A_358 = arith.constant -1.260000e+02 : f32
      %max3A_359 = vector.broadcast %max3A_358 : f32 to vector<16xf32>
      %max3A_360 = arith.maximumf %mul3A_357, %max3A_359 : vector<16xf32>
      %add3A_361 = arith.constant 0x4B400000 : f32
      %add3A_362 = vector.broadcast %add3A_361 : f32 to vector<16xf32>
      %add3A_363 = arith.addf %max3A_360, %add3A_362 : vector<16xf32>
      %sub3A_364 = arith.constant 0x4B400000 : f32
      %sub3A_365 = vector.broadcast %sub3A_364 : f32 to vector<16xf32>
      %sub3A_366 = arith.subf %add3A_363, %sub3A_365 : vector<16xf32>
      %sub3A_367 = arith.subf %max3A_360, %sub3A_366 : vector<16xf32>
      %convert_element_type3A_368 = arith.fptosi %sub3A_366 : vector<16xf32> to vector<16xi32>
      %mul3A_369 = arith.constant 1.54035297E-4 : f32
      %mul3A_370 = vector.broadcast %mul3A_369 : f32 to vector<16xf32>
      %mul3A_371 = arith.mulf %mul3A_370, %sub3A_367 : vector<16xf32>
      %add3A_372 = arith.constant 0.00133335579 : f32
      %add3A_373 = vector.broadcast %add3A_372 : f32 to vector<16xf32>
      %add3A_374 = arith.addf %mul3A_371, %add3A_373 : vector<16xf32>
      %mul3A_375 = arith.mulf %add3A_374, %sub3A_367 : vector<16xf32>
      %add3A_376 = arith.constant 0.00961812865 : f32
      %add3A_377 = vector.broadcast %add3A_376 : f32 to vector<16xf32>
      %add3A_378 = arith.addf %mul3A_375, %add3A_377 : vector<16xf32>
      %mul3A_379 = arith.mulf %add3A_378, %sub3A_367 : vector<16xf32>
      %add3A_380 = arith.constant 0.0555041097 : f32
      %add3A_381 = vector.broadcast %add3A_380 : f32 to vector<16xf32>
      %add3A_382 = arith.addf %mul3A_379, %add3A_381 : vector<16xf32>
      %mul3A_383 = arith.mulf %add3A_382, %sub3A_367 : vector<16xf32>
      %add3A_384 = arith.constant 0.240226507 : f32
      %add3A_385 = vector.broadcast %add3A_384 : f32 to vector<16xf32>
      %add3A_386 = arith.addf %mul3A_383, %add3A_385 : vector<16xf32>
      %mul3A_387 = arith.mulf %add3A_386, %sub3A_367 : vector<16xf32>
      %add3A_388 = arith.constant 0.693147182 : f32
      %add3A_389 = vector.broadcast %add3A_388 : f32 to vector<16xf32>
      %add3A_390 = arith.addf %mul3A_387, %add3A_389 : vector<16xf32>
      %mul3A_391 = arith.mulf %add3A_390, %sub3A_367 : vector<16xf32>
      %add3A_392 = arith.constant 1.000000e+00 : f32
      %add3A_393 = vector.broadcast %add3A_392 : f32 to vector<16xf32>
      %add3A_394 = arith.addf %mul3A_391, %add3A_393 : vector<16xf32>
      %add3A_395 = arith.constant 127 : i32
      %add3A_396 = vector.broadcast %add3A_395 : i32 to vector<16xi32>
      %add3A_397 = arith.addi %convert_element_type3A_368, %add3A_396 : vector<16xi32>
      %shift_left3A_398 = arith.constant 23 : i32
      %shift_left3A_399 = vector.broadcast %shift_left3A_398 : i32 to vector<16xi32>
      %shift_left3A_400 = arith.shli %add3A_397, %shift_left3A_399 : vector<16xi32>
      %bitcast3A_401 = vector.bitcast %shift_left3A_400 : vector<16xi32> to vector<16xf32>
      %mul3A_402 = arith.mulf %add3A_394, %bitcast3A_401 : vector<16xf32>
      %add3A_403 = arith.addf %add3A_353, %mul3A_402 : vector<16xf32>
      %sub3A_404 = arith.subf %gather3A_43, %select_n3A_82 : vector<16xf32>
      %mul3A_405 = arith.constant 1.44269502 : f32
      %mul3A_406 = vector.broadcast %mul3A_405 : f32 to vector<16xf32>
      %mul3A_407 = arith.mulf %sub3A_404, %mul3A_406 : vector<16xf32>
      %max3A_408 = arith.constant -1.260000e+02 : f32
      %max3A_409 = vector.broadcast %max3A_408 : f32 to vector<16xf32>
      %max3A_410 = arith.maximumf %mul3A_407, %max3A_409 : vector<16xf32>
      %add3A_411 = arith.constant 0x4B400000 : f32
      %add3A_412 = vector.broadcast %add3A_411 : f32 to vector<16xf32>
      %add3A_413 = arith.addf %max3A_410, %add3A_412 : vector<16xf32>
      %sub3A_414 = arith.constant 0x4B400000 : f32
      %sub3A_415 = vector.broadcast %sub3A_414 : f32 to vector<16xf32>
      %sub3A_416 = arith.subf %add3A_413, %sub3A_415 : vector<16xf32>
      %sub3A_417 = arith.subf %max3A_410, %sub3A_416 : vector<16xf32>
      %convert_element_type3A_418 = arith.fptosi %sub3A_416 : vector<16xf32> to vector<16xi32>
      %mul3A_419 = arith.constant 1.54035297E-4 : f32
      %mul3A_420 = vector.broadcast %mul3A_419 : f32 to vector<16xf32>
      %mul3A_421 = arith.mulf %mul3A_420, %sub3A_417 : vector<16xf32>
      %add3A_422 = arith.constant 0.00133335579 : f32
      %add3A_423 = vector.broadcast %add3A_422 : f32 to vector<16xf32>
      %add3A_424 = arith.addf %mul3A_421, %add3A_423 : vector<16xf32>
      %mul3A_425 = arith.mulf %add3A_424, %sub3A_417 : vector<16xf32>
      %add3A_426 = arith.constant 0.00961812865 : f32
      %add3A_427 = vector.broadcast %add3A_426 : f32 to vector<16xf32>
      %add3A_428 = arith.addf %mul3A_425, %add3A_427 : vector<16xf32>
      %mul3A_429 = arith.mulf %add3A_428, %sub3A_417 : vector<16xf32>
      %add3A_430 = arith.constant 0.0555041097 : f32
      %add3A_431 = vector.broadcast %add3A_430 : f32 to vector<16xf32>
      %add3A_432 = arith.addf %mul3A_429, %add3A_431 : vector<16xf32>
      %mul3A_433 = arith.mulf %add3A_432, %sub3A_417 : vector<16xf32>
      %add3A_434 = arith.constant 0.240226507 : f32
      %add3A_435 = vector.broadcast %add3A_434 : f32 to vector<16xf32>
      %add3A_436 = arith.addf %mul3A_433, %add3A_435 : vector<16xf32>
      %mul3A_437 = arith.mulf %add3A_436, %sub3A_417 : vector<16xf32>
      %add3A_438 = arith.constant 0.693147182 : f32
      %add3A_439 = vector.broadcast %add3A_438 : f32 to vector<16xf32>
      %add3A_440 = arith.addf %mul3A_437, %add3A_439 : vector<16xf32>
      %mul3A_441 = arith.mulf %add3A_440, %sub3A_417 : vector<16xf32>
      %add3A_442 = arith.constant 1.000000e+00 : f32
      %add3A_443 = vector.broadcast %add3A_442 : f32 to vector<16xf32>
      %add3A_444 = arith.addf %mul3A_441, %add3A_443 : vector<16xf32>
      %add3A_445 = arith.constant 127 : i32
      %add3A_446 = vector.broadcast %add3A_445 : i32 to vector<16xi32>
      %add3A_447 = arith.addi %convert_element_type3A_418, %add3A_446 : vector<16xi32>
      %shift_left3A_448 = arith.constant 23 : i32
      %shift_left3A_449 = vector.broadcast %shift_left3A_448 : i32 to vector<16xi32>
      %shift_left3A_450 = arith.shli %add3A_447, %shift_left3A_449 : vector<16xi32>
      %bitcast3A_451 = vector.bitcast %shift_left3A_450 : vector<16xi32> to vector<16xf32>
      %mul3A_452 = arith.mulf %add3A_444, %bitcast3A_451 : vector<16xf32>
      %add3A_453 = arith.addf %add3A_403, %mul3A_452 : vector<16xf32>
      %sub3A_454 = arith.subf %gather3A_47, %select_n3A_82 : vector<16xf32>
      %mul3A_455 = arith.constant 1.44269502 : f32
      %mul3A_456 = vector.broadcast %mul3A_455 : f32 to vector<16xf32>
      %mul3A_457 = arith.mulf %sub3A_454, %mul3A_456 : vector<16xf32>
      %max3A_458 = arith.constant -1.260000e+02 : f32
      %max3A_459 = vector.broadcast %max3A_458 : f32 to vector<16xf32>
      %max3A_460 = arith.maximumf %mul3A_457, %max3A_459 : vector<16xf32>
      %add3A_461 = arith.constant 0x4B400000 : f32
      %add3A_462 = vector.broadcast %add3A_461 : f32 to vector<16xf32>
      %add3A_463 = arith.addf %max3A_460, %add3A_462 : vector<16xf32>
      %sub3A_464 = arith.constant 0x4B400000 : f32
      %sub3A_465 = vector.broadcast %sub3A_464 : f32 to vector<16xf32>
      %sub3A_466 = arith.subf %add3A_463, %sub3A_465 : vector<16xf32>
      %sub3A_467 = arith.subf %max3A_460, %sub3A_466 : vector<16xf32>
      %convert_element_type3A_468 = arith.fptosi %sub3A_466 : vector<16xf32> to vector<16xi32>
      %mul3A_469 = arith.constant 1.54035297E-4 : f32
      %mul3A_470 = vector.broadcast %mul3A_469 : f32 to vector<16xf32>
      %mul3A_471 = arith.mulf %mul3A_470, %sub3A_467 : vector<16xf32>
      %add3A_472 = arith.constant 0.00133335579 : f32
      %add3A_473 = vector.broadcast %add3A_472 : f32 to vector<16xf32>
      %add3A_474 = arith.addf %mul3A_471, %add3A_473 : vector<16xf32>
      %mul3A_475 = arith.mulf %add3A_474, %sub3A_467 : vector<16xf32>
      %add3A_476 = arith.constant 0.00961812865 : f32
      %add3A_477 = vector.broadcast %add3A_476 : f32 to vector<16xf32>
      %add3A_478 = arith.addf %mul3A_475, %add3A_477 : vector<16xf32>
      %mul3A_479 = arith.mulf %add3A_478, %sub3A_467 : vector<16xf32>
      %add3A_480 = arith.constant 0.0555041097 : f32
      %add3A_481 = vector.broadcast %add3A_480 : f32 to vector<16xf32>
      %add3A_482 = arith.addf %mul3A_479, %add3A_481 : vector<16xf32>
      %mul3A_483 = arith.mulf %add3A_482, %sub3A_467 : vector<16xf32>
      %add3A_484 = arith.constant 0.240226507 : f32
      %add3A_485 = vector.broadcast %add3A_484 : f32 to vector<16xf32>
      %add3A_486 = arith.addf %mul3A_483, %add3A_485 : vector<16xf32>
      %mul3A_487 = arith.mulf %add3A_486, %sub3A_467 : vector<16xf32>
      %add3A_488 = arith.constant 0.693147182 : f32
      %add3A_489 = vector.broadcast %add3A_488 : f32 to vector<16xf32>
      %add3A_490 = arith.addf %mul3A_487, %add3A_489 : vector<16xf32>
      %mul3A_491 = arith.mulf %add3A_490, %sub3A_467 : vector<16xf32>
      %add3A_492 = arith.constant 1.000000e+00 : f32
      %add3A_493 = vector.broadcast %add3A_492 : f32 to vector<16xf32>
      %add3A_494 = arith.addf %mul3A_491, %add3A_493 : vector<16xf32>
      %add3A_495 = arith.constant 127 : i32
      %add3A_496 = vector.broadcast %add3A_495 : i32 to vector<16xi32>
      %add3A_497 = arith.addi %convert_element_type3A_468, %add3A_496 : vector<16xi32>
      %shift_left3A_498 = arith.constant 23 : i32
      %shift_left3A_499 = vector.broadcast %shift_left3A_498 : i32 to vector<16xi32>
      %shift_left3A_500 = arith.shli %add3A_497, %shift_left3A_499 : vector<16xi32>
      %bitcast3A_501 = vector.bitcast %shift_left3A_500 : vector<16xi32> to vector<16xf32>
      %mul3A_502 = arith.mulf %add3A_494, %bitcast3A_501 : vector<16xf32>
      %add3A_503 = arith.addf %add3A_453, %mul3A_502 : vector<16xf32>
      %sub3A_504 = arith.subf %gather3A_51, %select_n3A_82 : vector<16xf32>
      %mul3A_505 = arith.constant 1.44269502 : f32
      %mul3A_506 = vector.broadcast %mul3A_505 : f32 to vector<16xf32>
      %mul3A_507 = arith.mulf %sub3A_504, %mul3A_506 : vector<16xf32>
      %max3A_508 = arith.constant -1.260000e+02 : f32
      %max3A_509 = vector.broadcast %max3A_508 : f32 to vector<16xf32>
      %max3A_510 = arith.maximumf %mul3A_507, %max3A_509 : vector<16xf32>
      %add3A_511 = arith.constant 0x4B400000 : f32
      %add3A_512 = vector.broadcast %add3A_511 : f32 to vector<16xf32>
      %add3A_513 = arith.addf %max3A_510, %add3A_512 : vector<16xf32>
      %sub3A_514 = arith.constant 0x4B400000 : f32
      %sub3A_515 = vector.broadcast %sub3A_514 : f32 to vector<16xf32>
      %sub3A_516 = arith.subf %add3A_513, %sub3A_515 : vector<16xf32>
      %sub3A_517 = arith.subf %max3A_510, %sub3A_516 : vector<16xf32>
      %convert_element_type3A_518 = arith.fptosi %sub3A_516 : vector<16xf32> to vector<16xi32>
      %mul3A_519 = arith.constant 1.54035297E-4 : f32
      %mul3A_520 = vector.broadcast %mul3A_519 : f32 to vector<16xf32>
      %mul3A_521 = arith.mulf %mul3A_520, %sub3A_517 : vector<16xf32>
      %add3A_522 = arith.constant 0.00133335579 : f32
      %add3A_523 = vector.broadcast %add3A_522 : f32 to vector<16xf32>
      %add3A_524 = arith.addf %mul3A_521, %add3A_523 : vector<16xf32>
      %mul3A_525 = arith.mulf %add3A_524, %sub3A_517 : vector<16xf32>
      %add3A_526 = arith.constant 0.00961812865 : f32
      %add3A_527 = vector.broadcast %add3A_526 : f32 to vector<16xf32>
      %add3A_528 = arith.addf %mul3A_525, %add3A_527 : vector<16xf32>
      %mul3A_529 = arith.mulf %add3A_528, %sub3A_517 : vector<16xf32>
      %add3A_530 = arith.constant 0.0555041097 : f32
      %add3A_531 = vector.broadcast %add3A_530 : f32 to vector<16xf32>
      %add3A_532 = arith.addf %mul3A_529, %add3A_531 : vector<16xf32>
      %mul3A_533 = arith.mulf %add3A_532, %sub3A_517 : vector<16xf32>
      %add3A_534 = arith.constant 0.240226507 : f32
      %add3A_535 = vector.broadcast %add3A_534 : f32 to vector<16xf32>
      %add3A_536 = arith.addf %mul3A_533, %add3A_535 : vector<16xf32>
      %mul3A_537 = arith.mulf %add3A_536, %sub3A_517 : vector<16xf32>
      %add3A_538 = arith.constant 0.693147182 : f32
      %add3A_539 = vector.broadcast %add3A_538 : f32 to vector<16xf32>
      %add3A_540 = arith.addf %mul3A_537, %add3A_539 : vector<16xf32>
      %mul3A_541 = arith.mulf %add3A_540, %sub3A_517 : vector<16xf32>
      %add3A_542 = arith.constant 1.000000e+00 : f32
      %add3A_543 = vector.broadcast %add3A_542 : f32 to vector<16xf32>
      %add3A_544 = arith.addf %mul3A_541, %add3A_543 : vector<16xf32>
      %add3A_545 = arith.constant 127 : i32
      %add3A_546 = vector.broadcast %add3A_545 : i32 to vector<16xi32>
      %add3A_547 = arith.addi %convert_element_type3A_518, %add3A_546 : vector<16xi32>
      %shift_left3A_548 = arith.constant 23 : i32
      %shift_left3A_549 = vector.broadcast %shift_left3A_548 : i32 to vector<16xi32>
      %shift_left3A_550 = arith.shli %add3A_547, %shift_left3A_549 : vector<16xi32>
      %bitcast3A_551 = vector.bitcast %shift_left3A_550 : vector<16xi32> to vector<16xf32>
      %mul3A_552 = arith.mulf %add3A_544, %bitcast3A_551 : vector<16xf32>
      %add3A_553 = arith.addf %add3A_503, %mul3A_552 : vector<16xf32>
      %div3A = arith.constant 1.000000e+00 : f32
      %div3A_554 = vector.broadcast %div3A : f32 to vector<16xf32>
      %div3A_555 = arith.divf %div3A_554, %add3A_553 : vector<16xf32>
      %mul3A_556 = arith.mulf %add3A_553, %div3A_555 : vector<16xf32>
      %sub3A_557 = arith.constant 1.000000e+00 : f32
      %sub3A_558 = vector.broadcast %sub3A_557 : f32 to vector<16xf32>
      %sub3A_559 = arith.subf %sub3A_558, %mul3A_556 : vector<16xf32>
      %mul3A_560 = arith.mulf %div3A_555, %sub3A_559 : vector<16xf32>
      %add3A_561 = arith.addf %div3A_555, %mul3A_560 : vector<16xf32>
      %sub3A_562 = arith.subf %select_n3A_155, %select_n3A_82 : vector<16xf32>
      %mul3A_563 = arith.constant 1.44269502 : f32
      %mul3A_564 = vector.broadcast %mul3A_563 : f32 to vector<16xf32>
      %mul3A_565 = arith.mulf %sub3A_562, %mul3A_564 : vector<16xf32>
      %max3A_566 = arith.constant -1.260000e+02 : f32
      %max3A_567 = vector.broadcast %max3A_566 : f32 to vector<16xf32>
      %max3A_568 = arith.maximumf %mul3A_565, %max3A_567 : vector<16xf32>
      %add3A_569 = arith.constant 0x4B400000 : f32
      %add3A_570 = vector.broadcast %add3A_569 : f32 to vector<16xf32>
      %add3A_571 = arith.addf %max3A_568, %add3A_570 : vector<16xf32>
      %sub3A_572 = arith.constant 0x4B400000 : f32
      %sub3A_573 = vector.broadcast %sub3A_572 : f32 to vector<16xf32>
      %sub3A_574 = arith.subf %add3A_571, %sub3A_573 : vector<16xf32>
      %sub3A_575 = arith.subf %max3A_568, %sub3A_574 : vector<16xf32>
      %convert_element_type3A_576 = arith.fptosi %sub3A_574 : vector<16xf32> to vector<16xi32>
      %mul3A_577 = arith.constant 1.54035297E-4 : f32
      %mul3A_578 = vector.broadcast %mul3A_577 : f32 to vector<16xf32>
      %mul3A_579 = arith.mulf %mul3A_578, %sub3A_575 : vector<16xf32>
      %add3A_580 = arith.constant 0.00133335579 : f32
      %add3A_581 = vector.broadcast %add3A_580 : f32 to vector<16xf32>
      %add3A_582 = arith.addf %mul3A_579, %add3A_581 : vector<16xf32>
      %mul3A_583 = arith.mulf %add3A_582, %sub3A_575 : vector<16xf32>
      %add3A_584 = arith.constant 0.00961812865 : f32
      %add3A_585 = vector.broadcast %add3A_584 : f32 to vector<16xf32>
      %add3A_586 = arith.addf %mul3A_583, %add3A_585 : vector<16xf32>
      %mul3A_587 = arith.mulf %add3A_586, %sub3A_575 : vector<16xf32>
      %add3A_588 = arith.constant 0.0555041097 : f32
      %add3A_589 = vector.broadcast %add3A_588 : f32 to vector<16xf32>
      %add3A_590 = arith.addf %mul3A_587, %add3A_589 : vector<16xf32>
      %mul3A_591 = arith.mulf %add3A_590, %sub3A_575 : vector<16xf32>
      %add3A_592 = arith.constant 0.240226507 : f32
      %add3A_593 = vector.broadcast %add3A_592 : f32 to vector<16xf32>
      %add3A_594 = arith.addf %mul3A_591, %add3A_593 : vector<16xf32>
      %mul3A_595 = arith.mulf %add3A_594, %sub3A_575 : vector<16xf32>
      %add3A_596 = arith.constant 0.693147182 : f32
      %add3A_597 = vector.broadcast %add3A_596 : f32 to vector<16xf32>
      %add3A_598 = arith.addf %mul3A_595, %add3A_597 : vector<16xf32>
      %mul3A_599 = arith.mulf %add3A_598, %sub3A_575 : vector<16xf32>
      %add3A_600 = arith.constant 1.000000e+00 : f32
      %add3A_601 = vector.broadcast %add3A_600 : f32 to vector<16xf32>
      %add3A_602 = arith.addf %mul3A_599, %add3A_601 : vector<16xf32>
      %add3A_603 = arith.constant 127 : i32
      %add3A_604 = vector.broadcast %add3A_603 : i32 to vector<16xi32>
      %add3A_605 = arith.addi %convert_element_type3A_576, %add3A_604 : vector<16xi32>
      %shift_left3A_606 = arith.constant 23 : i32
      %shift_left3A_607 = vector.broadcast %shift_left3A_606 : i32 to vector<16xi32>
      %shift_left3A_608 = arith.shli %add3A_605, %shift_left3A_607 : vector<16xi32>
      %bitcast3A_609 = vector.bitcast %shift_left3A_608 : vector<16xi32> to vector<16xf32>
      %mul3A_610 = arith.mulf %add3A_602, %bitcast3A_609 : vector<16xf32>
      %mul3A_611 = arith.mulf %mul3A_610, %add3A_561 : vector<16xf32>
      %eq3A_612 = arith.constant 0 : i32
      %eq3A_613 = vector.broadcast %eq3A_612 : i32 to vector<16xi32>
      %eq3A_614 = arith.cmpi eq, %select_n3A_85, %eq3A_613 : vector<16xi32>
      %eq3A_615 = arith.constant 0 : i32
      %eq3A_616 = vector.broadcast %eq3A_615 : i32 to vector<16xi32>
      %eq3A_617 = arith.cmpi eq, %select_n3A_158, %eq3A_616 : vector<16xi32>
      %select_n3A_618 = arith.select %eq3A_617, %mul3A_611, %broadcast_in_dim3A_8 : vector<16xi1>, vector<16xf32>
      %select_n3A_619 = arith.select %eq3A_614, %add3A_561, %select_n3A_618 : vector<16xi1>, vector<16xf32>
      %add3A_620 = arith.constant 0 : i32
      %add3A_621 = vector.broadcast %add3A_620 : i32 to vector<16xi32>
      %add3A_622 = arith.addi %add3A_20, %add3A_621 : vector<16xi32>
      tpu.vector_store_idx %arg5[%add3A_622], %select_n3A_619 : memref<8192xf32, #tpu.memory_space<vmem>>[vector<16xi32>], vector<16xf32>,
      %eq3A_623 = arith.constant 1 : i32
      %eq3A_624 = vector.broadcast %eq3A_623 : i32 to vector<16xi32>
      %eq3A_625 = arith.cmpi eq, %select_n3A_85, %eq3A_624 : vector<16xi32>
      %eq3A_626 = arith.constant 1 : i32
      %eq3A_627 = vector.broadcast %eq3A_626 : i32 to vector<16xi32>
      %eq3A_628 = arith.cmpi eq, %select_n3A_158, %eq3A_627 : vector<16xi32>
      %select_n3A_629 = arith.select %eq3A_628, %mul3A_611, %broadcast_in_dim3A_8 : vector<16xi1>, vector<16xf32>
      %select_n3A_630 = arith.select %eq3A_625, %add3A_561, %select_n3A_629 : vector<16xi1>, vector<16xf32>
      %add3A_631 = arith.constant 1 : i32
      %add3A_632 = vector.broadcast %add3A_631 : i32 to vector<16xi32>
      %add3A_633 = arith.addi %add3A_20, %add3A_632 : vector<16xi32>
      tpu.vector_store_idx %arg5[%add3A_633], %select_n3A_630 : memref<8192xf32, #tpu.memory_space<vmem>>[vector<16xi32>], vector<16xf32>,
      %eq3A_634 = arith.constant 2 : i32
      %eq3A_635 = vector.broadcast %eq3A_634 : i32 to vector<16xi32>
      %eq3A_636 = arith.cmpi eq, %select_n3A_85, %eq3A_635 : vector<16xi32>
      %eq3A_637 = arith.constant 2 : i32
      %eq3A_638 = vector.broadcast %eq3A_637 : i32 to vector<16xi32>
      %eq3A_639 = arith.cmpi eq, %select_n3A_158, %eq3A_638 : vector<16xi32>
      %select_n3A_640 = arith.select %eq3A_639, %mul3A_611, %broadcast_in_dim3A_8 : vector<16xi1>, vector<16xf32>
      %select_n3A_641 = arith.select %eq3A_636, %add3A_561, %select_n3A_640 : vector<16xi1>, vector<16xf32>
      %add3A_642 = arith.constant 2 : i32
      %add3A_643 = vector.broadcast %add3A_642 : i32 to vector<16xi32>
      %add3A_644 = arith.addi %add3A_20, %add3A_643 : vector<16xi32>
      tpu.vector_store_idx %arg5[%add3A_644], %select_n3A_641 : memref<8192xf32, #tpu.memory_space<vmem>>[vector<16xi32>], vector<16xf32>,
      %eq3A_645 = arith.constant 3 : i32
      %eq3A_646 = vector.broadcast %eq3A_645 : i32 to vector<16xi32>
      %eq3A_647 = arith.cmpi eq, %select_n3A_85, %eq3A_646 : vector<16xi32>
      %eq3A_648 = arith.constant 3 : i32
      %eq3A_649 = vector.broadcast %eq3A_648 : i32 to vector<16xi32>
      %eq3A_650 = arith.cmpi eq, %select_n3A_158, %eq3A_649 : vector<16xi32>
      %select_n3A_651 = arith.select %eq3A_650, %mul3A_611, %broadcast_in_dim3A_8 : vector<16xi1>, vector<16xf32>
      %select_n3A_652 = arith.select %eq3A_647, %add3A_561, %select_n3A_651 : vector<16xi1>, vector<16xf32>
      %add3A_653 = arith.constant 3 : i32
      %add3A_654 = vector.broadcast %add3A_653 : i32 to vector<16xi32>
      %add3A_655 = arith.addi %add3A_20, %add3A_654 : vector<16xi32>
      tpu.vector_store_idx %arg5[%add3A_655], %select_n3A_652 : memref<8192xf32, #tpu.memory_space<vmem>>[vector<16xi32>], vector<16xf32>,
      %eq3A_656 = arith.constant 4 : i32
      %eq3A_657 = vector.broadcast %eq3A_656 : i32 to vector<16xi32>
      %eq3A_658 = arith.cmpi eq, %select_n3A_85, %eq3A_657 : vector<16xi32>
      %eq3A_659 = arith.constant 4 : i32
      %eq3A_660 = vector.broadcast %eq3A_659 : i32 to vector<16xi32>
      %eq3A_661 = arith.cmpi eq, %select_n3A_158, %eq3A_660 : vector<16xi32>
      %select_n3A_662 = arith.select %eq3A_661, %mul3A_611, %broadcast_in_dim3A_8 : vector<16xi1>, vector<16xf32>
      %select_n3A_663 = arith.select %eq3A_658, %add3A_561, %select_n3A_662 : vector<16xi1>, vector<16xf32>
      %add3A_664 = arith.constant 4 : i32
      %add3A_665 = vector.broadcast %add3A_664 : i32 to vector<16xi32>
      %add3A_666 = arith.addi %add3A_20, %add3A_665 : vector<16xi32>
      tpu.vector_store_idx %arg5[%add3A_666], %select_n3A_663 : memref<8192xf32, #tpu.memory_space<vmem>>[vector<16xi32>], vector<16xf32>,
      %eq3A_667 = arith.constant 5 : i32
      %eq3A_668 = vector.broadcast %eq3A_667 : i32 to vector<16xi32>
      %eq3A_669 = arith.cmpi eq, %select_n3A_85, %eq3A_668 : vector<16xi32>
      %eq3A_670 = arith.constant 5 : i32
      %eq3A_671 = vector.broadcast %eq3A_670 : i32 to vector<16xi32>
      %eq3A_672 = arith.cmpi eq, %select_n3A_158, %eq3A_671 : vector<16xi32>
      %select_n3A_673 = arith.select %eq3A_672, %mul3A_611, %broadcast_in_dim3A_8 : vector<16xi1>, vector<16xf32>
      %select_n3A_674 = arith.select %eq3A_669, %add3A_561, %select_n3A_673 : vector<16xi1>, vector<16xf32>
      %add3A_675 = arith.constant 5 : i32
      %add3A_676 = vector.broadcast %add3A_675 : i32 to vector<16xi32>
      %add3A_677 = arith.addi %add3A_20, %add3A_676 : vector<16xi32>
      tpu.vector_store_idx %arg5[%add3A_677], %select_n3A_674 : memref<8192xf32, #tpu.memory_space<vmem>>[vector<16xi32>], vector<16xf32>,
      %eq3A_678 = arith.constant 6 : i32
      %eq3A_679 = vector.broadcast %eq3A_678 : i32 to vector<16xi32>
      %eq3A_680 = arith.cmpi eq, %select_n3A_85, %eq3A_679 : vector<16xi32>
      %eq3A_681 = arith.constant 6 : i32
      %eq3A_682 = vector.broadcast %eq3A_681 : i32 to vector<16xi32>
      %eq3A_683 = arith.cmpi eq, %select_n3A_158, %eq3A_682 : vector<16xi32>
      %select_n3A_684 = arith.select %eq3A_683, %mul3A_611, %broadcast_in_dim3A_8 : vector<16xi1>, vector<16xf32>
      %select_n3A_685 = arith.select %eq3A_680, %add3A_561, %select_n3A_684 : vector<16xi1>, vector<16xf32>
      %add3A_686 = arith.constant 6 : i32
      %add3A_687 = vector.broadcast %add3A_686 : i32 to vector<16xi32>
      %add3A_688 = arith.addi %add3A_20, %add3A_687 : vector<16xi32>
      tpu.vector_store_idx %arg5[%add3A_688], %select_n3A_685 : memref<8192xf32, #tpu.memory_space<vmem>>[vector<16xi32>], vector<16xf32>,
      %eq3A_689 = arith.constant 7 : i32
      %eq3A_690 = vector.broadcast %eq3A_689 : i32 to vector<16xi32>
      %eq3A_691 = arith.cmpi eq, %select_n3A_85, %eq3A_690 : vector<16xi32>
      %eq3A_692 = arith.constant 7 : i32
      %eq3A_693 = vector.broadcast %eq3A_692 : i32 to vector<16xi32>
      %eq3A_694 = arith.cmpi eq, %select_n3A_158, %eq3A_693 : vector<16xi32>
      %select_n3A_695 = arith.select %eq3A_694, %mul3A_611, %broadcast_in_dim3A_8 : vector<16xi1>, vector<16xf32>
      %select_n3A_696 = arith.select %eq3A_691, %add3A_561, %select_n3A_695 : vector<16xi1>, vector<16xf32>
      %add3A_697 = arith.constant 7 : i32
      %add3A_698 = vector.broadcast %add3A_697 : i32 to vector<16xi32>
      %add3A_699 = arith.addi %add3A_20, %add3A_698 : vector<16xi32>
      tpu.vector_store_idx %arg5[%add3A_699], %select_n3A_696 : memref<8192xf32, #tpu.memory_space<vmem>>[vector<16xi32>], vector<16xf32>,
    }
    %scan3A_13 = arith.constant 64 : i32
    %mul3A_14 = arith.constant 8192 : i32
    %mul3A_15 = arith.muli %add3A, %mul3A_14 : i32
    "tpu.region"() ({
      %run_scoped3A = tpu.sem_alloc : memref<!tpu.dma_semaphore, #tpu.memory_space<semaphore_mem>>
      %dma_start3A = tpu.memref_slice %arg3[%mul3A_15] : memref<262144xf32, #tpu.memory_space<hbm>> -> memref<8192xf32, #tpu.memory_space<hbm>>
      %dma_start3A_16 = tpu.memref_slice %arg3[%mul3A_15] : memref<262144xf32, #tpu.memory_space<hbm>> -> memref<8192xf32, #tpu.memory_space<hbm>>
      tpu.enqueue_dma source(%arg5 : memref<8192xf32, #tpu.memory_space<vmem>>) target(%dma_start3A_16 : memref<8192xf32, #tpu.memory_space<hbm>>) target_semaphore(%run_scoped3A : memref<!tpu.dma_semaphore, #tpu.memory_space<semaphore_mem>>)
      %dma_wait3A = tpu.memref_slice %arg3[%mul3A_15] : memref<262144xf32, #tpu.memory_space<hbm>> -> memref<8192xf32, #tpu.memory_space<hbm>>
      %dma_wait3A_17 = tpu.memref_slice %arg3[%mul3A_15] : memref<262144xf32, #tpu.memory_space<hbm>> -> memref<8192xf32, #tpu.memory_space<hbm>>
      tpu.wait_dma2 semaphore(%run_scoped3A : memref<!tpu.dma_semaphore, #tpu.memory_space<semaphore_mem>>) src(%arg5 : memref<8192xf32, #tpu.memory_space<vmem>>) dst(%dma_wait3A_17 : memref<8192xf32, #tpu.memory_space<hbm>>)
      tpu.yield
    }) : () -> ()
    return
  }
}

module attributes {stable_mosaic.version = 14 : i64} {
  func.func @_tc_logits_body(%arg0: i32, %arg1: memref<1024x256xf32, #tpu.memory_space<vmem>>, %arg2: memref<256x128xf32, #tpu.memory_space<vmem>>, %arg3: memref<1x128xf32, #tpu.memory_space<vmem>>, %arg4: memref<1024x128xf32, #tpu.memory_space<vmem>>) attributes {dimension_semantics = [#tpu.dimension_semantics<arbitrary>], iteration_bounds = array<i64: 2>, scalar_prefetch = 0 : i64, scratch_operands = 0 : i64, tpu.core_type = #tpu.core_type<tc>, window_params = [{transform_indices = @transform_0, window_bounds = array<i64: 1024, 256>}, {pipeline_mode = #tpu.pipeline_mode<synchronous>, transform_indices = @transform_1, window_bounds = array<i64: 256, 128>}, {pipeline_mode = #tpu.pipeline_mode<synchronous>, transform_indices = @transform_2, window_bounds = array<i64: 1, 128>}, {transform_indices = @transform_3, window_bounds = array<i64: 1024, 128>}]} {
    %get3A = arith.constant 0 : index
    %get3A_0 = arith.constant 0 : index
    %get3A_1 = vector.load %arg1[%get3A, %get3A_0] : memref<1024x256xf32, #tpu.memory_space<vmem>>, vector<1024x256xf32>
    %get3A_2 = arith.constant 0 : index
    %get3A_3 = arith.constant 0 : index
    %get3A_4 = vector.load %arg2[%get3A_2, %get3A_3] : memref<256x128xf32, #tpu.memory_space<vmem>>, vector<256x128xf32>
    %dot_general3A = arith.constant dense<0.000000e+00> : vector<1024x128xf32>
    %dot_general3A_5 = tpu.matmul %get3A_1, %get3A_4, %dot_general3A {dimension_numbers = #tpu.dot_dimension_numbers<[1], [0], [0], [1], [0, 0, 1, 1], [], []>, transpose_lhs_hint = false} : vector<1024x256xf32>, vector<256x128xf32>, vector<1024x128xf32> -> vector<1024x128xf32>
    %get3A_6 = arith.constant 0 : index
    %get3A_7 = arith.constant 0 : index
    %get3A_8 = vector.load %arg3[%get3A_6, %get3A_7] : memref<1x128xf32, #tpu.memory_space<vmem>>, vector<1x128xf32>
    %add3A = vector.broadcast %get3A_8 : vector<1x128xf32> to vector<1024x128xf32>
    %add3A_9 = arith.addf %dot_general3A_5, %add3A : vector<1024x128xf32>
    %swap3A = arith.constant 0 : index
    %swap3A_10 = arith.constant 0 : index
    %swap3A_11 = vector.load %arg4[%swap3A, %swap3A_10] : memref<1024x128xf32, #tpu.memory_space<vmem>>, vector<1024x128xf32>
    tpu.vector_store %arg4[%swap3A, %swap3A_10], %add3A_9 {strides = array<i32>} : memref<1024x128xf32, #tpu.memory_space<vmem>>, vector<1024x128xf32>,
    return
  }
  func.func @transform_0(%arg0: i32) -> (i32, i32) {
    %c0_i32 = arith.constant 0 : i32
    %c0_i32_0 = arith.constant 0 : i32
    return %arg0, %c0_i32 : i32, i32
  }
  func.func @transform_1(%arg0: i32) -> (i32, i32) {
    %c0_i32 = arith.constant 0 : i32
    %c0_i32_0 = arith.constant 0 : i32
    %c0_i32_1 = arith.constant 0 : i32
    return %c0_i32, %c0_i32_0 : i32, i32
  }
  func.func @transform_2(%arg0: i32) -> (i32, i32) {
    %c0_i32 = arith.constant 0 : i32
    %c0_i32_0 = arith.constant 0 : i32
    %c0_i32_1 = arith.constant 0 : i32
    return %c0_i32, %c0_i32_0 : i32, i32
  }
  func.func @transform_3(%arg0: i32) -> (i32, i32) {
    %c0_i32 = arith.constant 0 : i32
    %c0_i32_0 = arith.constant 0 : i32
    return %arg0, %c0_i32 : i32, i32
  }
}

module attributes {stable_mosaic.version = 14 : i64} {
  func.func @_tc_expert_body(%arg0: i32, %arg1: memref<512x256xf32, #tpu.memory_space<vmem>>, %arg2: memref<512x128xf32, #tpu.memory_space<vmem>>, %arg3: memref<256x2048xf32, #tpu.memory_space<vmem>>, %arg4: memref<1x2048xf32, #tpu.memory_space<vmem>>, %arg5: memref<128x2048xf32, #tpu.memory_space<vmem>>, %arg6: memref<2048x256xf32, #tpu.memory_space<vmem>>, %arg7: memref<512x256xf32, #tpu.memory_space<vmem>>) attributes {dimension_semantics = [#tpu.dimension_semantics<arbitrary>], iteration_bounds = array<i64: 4>, scalar_prefetch = 0 : i64, scratch_operands = 0 : i64, tpu.core_type = #tpu.core_type<tc>, window_params = [{transform_indices = @transform_0, window_bounds = array<i64: 512, 256>}, {transform_indices = @transform_1, window_bounds = array<i64: 512, 128>}, {pipeline_mode = #tpu.pipeline_mode<synchronous>, transform_indices = @transform_2, window_bounds = array<i64: 256, 2048>}, {pipeline_mode = #tpu.pipeline_mode<synchronous>, transform_indices = @transform_3, window_bounds = array<i64: 1, 2048>}, {pipeline_mode = #tpu.pipeline_mode<synchronous>, transform_indices = @transform_4, window_bounds = array<i64: 128, 2048>}, {pipeline_mode = #tpu.pipeline_mode<synchronous>, transform_indices = @transform_5, window_bounds = array<i64: 2048, 256>}, {transform_indices = @transform_6, window_bounds = array<i64: 512, 256>}]} {
    %get3A = arith.constant 0 : index
    %get3A_0 = arith.constant 0 : index
    %get3A_1 = vector.load %arg1[%get3A, %get3A_0] : memref<512x256xf32, #tpu.memory_space<vmem>>, vector<512x256xf32>
    %get3A_2 = arith.constant 0 : index
    %get3A_3 = arith.constant 0 : index
    %get3A_4 = vector.load %arg3[%get3A_2, %get3A_3] : memref<256x2048xf32, #tpu.memory_space<vmem>>, vector<256x2048xf32>
    %dot_general3A = arith.constant dense<0.000000e+00> : vector<512x2048xf32>
    %dot_general3A_5 = tpu.matmul %get3A_1, %get3A_4, %dot_general3A {dimension_numbers = #tpu.dot_dimension_numbers<[1], [0], [0], [1], [0, 0, 1, 1], [], []>, transpose_lhs_hint = false} : vector<512x256xf32>, vector<256x2048xf32>, vector<512x2048xf32> -> vector<512x2048xf32>
    %get3A_6 = arith.constant 0 : index
    %get3A_7 = arith.constant 0 : index
    %get3A_8 = vector.load %arg4[%get3A_6, %get3A_7] : memref<1x2048xf32, #tpu.memory_space<vmem>>, vector<1x2048xf32>
    %add3A = vector.broadcast %get3A_8 : vector<1x2048xf32> to vector<512x2048xf32>
    %add3A_9 = arith.addf %dot_general3A_5, %add3A : vector<512x2048xf32>
    %get3A_10 = arith.constant 0 : index
    %get3A_11 = arith.constant 0 : index
    %get3A_12 = vector.load %arg2[%get3A_10, %get3A_11] : memref<512x128xf32, #tpu.memory_space<vmem>>, vector<512x128xf32>
    %get3A_13 = arith.constant 0 : index
    %get3A_14 = arith.constant 0 : index
    %get3A_15 = vector.load %arg5[%get3A_13, %get3A_14] : memref<128x2048xf32, #tpu.memory_space<vmem>>, vector<128x2048xf32>
    %dot_general3A_16 = arith.constant dense<0.000000e+00> : vector<512x2048xf32>
    %dot_general3A_17 = tpu.matmul %get3A_12, %get3A_15, %dot_general3A_16 {dimension_numbers = #tpu.dot_dimension_numbers<[1], [0], [0], [1], [0, 0, 1, 1], [], []>, transpose_lhs_hint = false} : vector<512x128xf32>, vector<128x2048xf32>, vector<512x2048xf32> -> vector<512x2048xf32>
    %mul3A = arith.mulf %add3A_9, %dot_general3A_17 : vector<512x2048xf32>
    %get3A_18 = arith.constant 0 : index
    %get3A_19 = arith.constant 0 : index
    %get3A_20 = vector.load %arg6[%get3A_18, %get3A_19] : memref<2048x256xf32, #tpu.memory_space<vmem>>, vector<2048x256xf32>
    %dot_general3A_21 = arith.constant dense<0.000000e+00> : vector<512x256xf32>
    %dot_general3A_22 = tpu.matmul %mul3A, %get3A_20, %dot_general3A_21 {dimension_numbers = #tpu.dot_dimension_numbers<[1], [0], [0], [1], [0, 0, 1, 1], [], []>, transpose_lhs_hint = false} : vector<512x2048xf32>, vector<2048x256xf32>, vector<512x256xf32> -> vector<512x256xf32>
    %swap3A = arith.constant 0 : index
    %swap3A_23 = arith.constant 0 : index
    %swap3A_24 = vector.load %arg7[%swap3A, %swap3A_23] : memref<512x256xf32, #tpu.memory_space<vmem>>, vector<512x256xf32>
    tpu.vector_store %arg7[%swap3A, %swap3A_23], %dot_general3A_22 {strides = array<i32>} : memref<512x256xf32, #tpu.memory_space<vmem>>, vector<512x256xf32>,
    return
  }
  func.func @transform_0(%arg0: i32) -> (i32, i32) {
    %c0_i32 = arith.constant 0 : i32
    %c0_i32_0 = arith.constant 0 : i32
    return %arg0, %c0_i32 : i32, i32
  }
  func.func @transform_1(%arg0: i32) -> (i32, i32) {
    %c0_i32 = arith.constant 0 : i32
    %c0_i32_0 = arith.constant 0 : i32
    return %arg0, %c0_i32 : i32, i32
  }
  func.func @transform_2(%arg0: i32) -> (i32, i32) {
    %c0_i32 = arith.constant 0 : i32
    %c0_i32_0 = arith.constant 0 : i32
    %c0_i32_1 = arith.constant 0 : i32
    return %c0_i32, %c0_i32_0 : i32, i32
  }
  func.func @transform_3(%arg0: i32) -> (i32, i32) {
    %c0_i32 = arith.constant 0 : i32
    %c0_i32_0 = arith.constant 0 : i32
    %c0_i32_1 = arith.constant 0 : i32
    return %c0_i32, %c0_i32_0 : i32, i32
  }
  func.func @transform_4(%arg0: i32) -> (i32, i32) {
    %c0_i32 = arith.constant 0 : i32
    %c0_i32_0 = arith.constant 0 : i32
    %c0_i32_1 = arith.constant 0 : i32
    return %c0_i32, %c0_i32_0 : i32, i32
  }
  func.func @transform_5(%arg0: i32) -> (i32, i32) {
    %c0_i32 = arith.constant 0 : i32
    %c0_i32_0 = arith.constant 0 : i32
    %c0_i32_1 = arith.constant 0 : i32
    return %c0_i32, %c0_i32_0 : i32, i32
  }
  func.func @transform_6(%arg0: i32) -> (i32, i32) {
    %c0_i32 = arith.constant 0 : i32
    %c0_i32_0 = arith.constant 0 : i32
    return %arg0, %c0_i32 : i32, i32
  }
}

</mosaic_0001>

<sc_bundles>
// kernel: _moe_call.5.cloned.1.call-start
scs
__scs_entry_jumppad:
0x0: {  	(pc) =	sbr.rel $0x88, $3  }
0x1: {  	(tag) =	ssettag $0x0;
	lr =	simm.s32 $0x1  }
0x2: {  	[smem:$0x3F9A] =	sst lr;
	_ =	strace $0xD0000000  }
0x3: {  	_ = 	snop  }
0x4: {  	_ = 	snop  }
0x5: {  	_ = 	snop  }
0x6: {  	_ = 	snop  }
0x7: {  	_ = 	snop  }
__scs_overlays_trampoline_lowered:
0x8: {  	[smem:$0x3FA9] =	sst s0  }
0x9: {  	[smem:$0x3FAA] =	sst s1  }
0xa: {  	[smem:$0x3FAB] =	sst s2  }
0xb: {  	[smem:$0x3FAC] =	sst s3  }
0xc: {  	[smem:$0x3FAD] =	sst s4  }
0xd: {  	[smem:$0x3FAE] =	sst s5  }
0xe: {  	[smem:$0x3FAF] =	sst s6  }
0xf: {  	[smem:$0x3FB0] =	sst s7  }
0x10: {  	[smem:$0x3FB1] =	sst s8  }
0x11: {  	[smem:$0x3FB2] =	sst s9;
	s0 =	simm.s32 @!p0 $0x0  }
0x12: {  	s1 =	sld [smem:$0x3F98];
	s0 =	simm.s32 @p0 $0x1  }
0x13: {  	[smem:$0x3FB3] =	sst s0;
	s0 =	simm.s32 @!p1 $0x0  }
0x14: {  	s2 =	sld [smem:$0x3F97];
	s0 =	simm.s32 @p1 $0x1  }
0x15: {  	[smem:$0x3FB4] =	sst s0;
	s0 =	simm.s32 @!p2 $0x0  }
0x16: {  	s3 =	sld [smem:$0x3FDB];
	s0 =	simm.s32 @p2 $0x1  }
0x17: {  	s4 =	simm.s32 $0x1BF5;
	[smem:$0x3FB6] =	sst s0  }
0x18: {  	s0 =	sld [smem:$0x3F99];
	_ =	swait.ge [sflag:s4], $0x0  }
0x19: {  	s7 =	sld [smem:$0x3F9A]  }
0x1a: {  	s8 =	sadd.s32 $0xFFFFE003, lr  }
0x1b: {  	s9 =	sadd.s32 $0xFFFFFEF7, lr;
	s5 =	simm.s32 $0xFFFFFFFF;
	p2 =	slt.u32 s8, $0xFFFFF086  }
0x1c: {  	p1 =	slt.u32 s9, $0xF7A;
	s5 =	simm.s32 @!p2 $0x0  }
0x1d: {  	s5 =	simm.s32 @p1 $0x1;
	p0 =	seq.s32 s7, s2  }
0x1e: {  	s7 =	smul.u32 @!p0 $0xF7A, s2;
	p2 =	seq.s32 @!p0 s5, $0x0  }
0x1f: {  	s9 =	smul.u32 $0xF7A, s1;
	s8 =	simm.s32 @!p0 $0x1BF5;
	p2 =	por !p2, p0  }
0x20: {  	[sflag:s8] =	ssyncset.s32 @!p0 $0xFFFFF086;
	s6 =	sadd.s32 @!p0 s3, s7;
	s7 =	simm.s32 @!p0 $0x108  }
0x21: {  	s3 =	sadd.s32 s3, s9;
	s6 =	sadd.s32 @!p0 $0x88, s6;
	s7 =	simm.s32 @p2 $0x1082  }
0x22: {  	[simem:s7], [sflag:s8] =	dma.local @!p0 [hbm:s6], $0xF7A  }
0x23: {  	s9 =	sor.u32 $0xD0000000, s2;
	s6 =	simm.s32 $0x108;
	_ =	swait.ge @!p0 [sflag:s8], $0x0  }
0x24: {  	s3 =	sadd.s32 $0x88, s3;
	s6 =	simm.s32 @!p1 $0x1082;
	[sflag:s4] =	ssyncset.s32 $0xFFFFF086  }
0x25: {  	[simem:s6], [sflag:s4] =	dma.local [hbm:s3], $0xF7A  }
0x26: {  	[smem:$0x3F9A] =	sst s1;
	(tag) =	ssettag s2;
	_ =	strace s9  }
0x27: {  	s1 =	sld [smem:$0x3FAA]  }
0x28: {  	s2 =	sld [smem:$0x3FAB]  }
0x29: {  	s4 =	sld [smem:$0x3FAD]  }
0x2a: {  	p0 =	seq.s32 s5, $0x0;
	s5 =	sld [smem:$0x3FAE]  }
0x2b: {  	s6 =	sld [smem:$0x3FAF]  }
0x2c: {  	s7 =	sld [smem:$0x3FB0]  }
0x2d: {  	s3 =	simm.s32 $0x108;
	s8 =	sld [smem:$0x3FB1]  }
0x2e: {  	s3 =	simm.s32 @!p0 $0x1082;
	s9 =	sld [smem:$0x3FB2]  }
0x2f: {  	lr =	sadd.s32 s0, s3;
	s0 =	sld [smem:$0x3FA9]  }
0x30: {  	s3 =	sld [smem:$0x3FAC]  }
0x31: {  	[smem:$0x3FB5] =	sst s10  }
0x32: {  	s10 =	sld [smem:$0x3FB3];
	_ =	sdelay $0x3  }
0x33: {  	p0 =	seq.s32 s10, $0x1;
	s10 =	sld [smem:$0x3FB5];
	_ =	sdelay $0x3  }
0x34: {  	[smem:$0x3FB5] =	sst s10  }
0x35: {  	s10 =	sld [smem:$0x3FB4];
	_ =	sdelay $0x3  }
0x36: {  	p1 =	seq.s32 s10, $0x1;
	s10 =	sld [smem:$0x3FB5];
	_ =	sdelay $0x3  }
0x37: {  	[smem:$0x3FB5] =	sst s10  }
0x38: {  	s10 =	sld [smem:$0x3FB6]  }
0x39: {  	_ = 	snop;
	(pc) =	sbr.ind lr, $3  }
0x3a: {  	_ = 	snop  }
0x3b: {  	_ = 	snop  }
0x3c: {  	p2 =	seq.s32 s10, $0x1;
	s10 =	sld [smem:$0x3FB5]  }
0x3d: {  	_ =	shalt  }
0x3e: {  	_ =	shalt  }
0x3f: {  	_ =	shalt  }
0x40: {  	_ =	shalt  }
0x41: {  	_ =	shalt  }
0x42: {  	_ =	shalt  }
0x43: {  	_ =	shalt  }
0x44: {  	_ =	shalt  }
0x45: {  	_ =	shalt  }
0x46: {  	_ =	shalt  }
0x47: {  	_ =	shalt  }
0x48: {  	_ =	shalt  }
0x49: {  	_ =	shalt  }
0x4a: {  	_ =	shalt  }
0x4b: {  	_ =	shalt  }
0x4c: {  	_ =	shalt  }
0x4d: {  	_ =	shalt  }
0x4e: {  	_ =	shalt  }
0x4f: {  	_ =	shalt  }
0x50: {  	_ =	shalt  }
0x51: {  	_ =	shalt  }
0x52: {  	_ =	shalt  }
0x53: {  	_ =	shalt  }
0x54: {  	_ =	shalt  }
0x55: {  	_ =	shalt  }
0x56: {  	_ =	shalt  }
0x57: {  	_ =	shalt  }
0x58: {  	_ =	shalt  }
0x59: {  	_ =	shalt  }
0x5a: {  	_ =	shalt  }
0x5b: {  	_ =	shalt  }
0x5c: {  	_ =	shalt  }
0x5d: {  	_ =	shalt  }
0x5e: {  	_ =	shalt  }
0x5f: {  	_ =	shalt  }
0x60: {  	_ =	shalt  }
0x61: {  	_ =	shalt  }
0x62: {  	_ =	shalt  }
0x63: {  	_ =	shalt  }
0x64: {  	_ =	shalt  }
0x65: {  	_ =	shalt  }
0x66: {  	_ =	shalt  }
0x67: {  	_ =	shalt  }
0x68: {  	_ =	shalt  }
0x69: {  	_ =	shalt  }
0x6a: {  	_ =	shalt  }
0x6b: {  	_ =	shalt  }
0x6c: {  	_ =	shalt  }
0x6d: {  	_ =	shalt  }
0x6e: {  	_ =	shalt  }
0x6f: {  	_ =	shalt  }
0x70: {  	_ =	shalt  }
0x71: {  	_ =	shalt  }
0x72: {  	_ =	shalt  }
0x73: {  	_ =	shalt  }
0x74: {  	_ =	shalt  }
0x75: {  	_ =	shalt  }
0x76: {  	_ =	shalt  }
0x77: {  	_ =	shalt  }
0x78: {  	_ =	shalt  }
0x79: {  	_ =	shalt  }
0x7a: {  	_ =	shalt  }
0x7b: {  	_ =	shalt  }
0x7c: {  	_ =	shalt  }
0x7d: {  	_ =	shalt  }
0x7e: {  	_ =	shalt  }
0x7f: {  	_ =	shalt  }
0x80: {  	_ =	shalt  }
0x81: {  	_ =	shalt  }
0x82: {  	_ =	shalt  }
0x83: {  	_ =	shalt  }
0x84: {  	_ =	shalt  }
0x85: {  	_ =	shalt  }
0x86: {  	_ =	shalt  }
0x87: {  	_ =	shalt  }
.Lfunc_end0:
.L_simem_size_0:
called_computation_lowered:
.L_overlay_start_0:
0x88: {  	s2 =	sld [smem:$0x3FD9]  }
0x89: {  	s3 =	sld [smem:$0x3FFE];
	_ =	sdelay $0x1  }
0x8a: {  	s1 =	srdreg.scid  }
0x8b: {  	s0 =	sand.u32 $0x1, s1  }
0x8c: {  	s17 =	sshll.u32 s0, $0xA;
	s2 =	sadd.s32 s3, s2  }
0x8d: {  	s2 =	sadd.s32 s2, s17  }
0x8e: {  	[smem:$0x3FC1] =	sst s2  }
0x8f: {  	_ = 	snop  }
0x90: {  	s2 =	sld [smem:$0x3FD0];
	(tm) =	ssettm $0x1  }
0x91: {  	s18 =	sld [smem:$0x3FFB];
	_ =	sdelay $0x3  }
0x92: {  	_ =	strace s18  }
0x93: {  	s3 =	sld [smem:$0x3FFC];
	_ =	sdelay $0x3  }
0x94: {  	_ =	strace s3  }
0x95: {  	s3 =	sld [smem:$0x3FFD];
	_ =	sdelay $0x3  }
0x96: {  	_ =	strace s3  }
0x97: {  	_ =	strace $0x8FFFFFFF  }
0x98: {  	s19 =	sld [smem:$0x3FDB];
	_ =	sdelay $0x1  }
0x99: {  	s4 =	simm.s32 $_scs_section_size  }
0x9a: {  	s5 =	simm.s32 $_size__tile_overlayer_lowered;
	s6 =	simm.s32 $_tile_overlayer_lowered  }
0x9b: {  	s22 =	simm.s32 $0x1BFF;
	s21 =	sshll.u32 s6, $0x1;
	s3 =	sadd.s32 s4, s19  }
0x9c: {  	s7 =	simm.s32 $0x0;
	s20 =	sshll.u32 s5, $0x1;
	s5 =	sadd.s32 s21, s3  }
0x9d: {  	[timem:s7], [sflag:s22] =	dma.local [hbm:s5], s20  }
0x9e: {  	_ =	swait.ge [sflag:s22], s20  }
0x9f: {  	s4 =	ssub.s32 $0x0, s20;
	[sflag:s22] =	ssyncset.done $0x0  }
0xa0: {  	[sflag:s22] =	ssyncadd.s32 s4;
	_ =	sdelay $0x1  }
0xa1: {  	s23 =	simm.s32 $0x1B8B  }
0xa2: {  	_ =	swait.ge [sflag:s23], $0x1  }
0xa3: {  	[sflag:s23] =	ssyncset.done $0x0  }
0xa4: {  	s25 =	simm.s32 $0x1B8E;
	s24 =	sld [smem:$0x3FFE];
	[sflag:s23] =	ssyncadd.s32 $0xFFFFFFFF  }
0xa5: {  	s26 =	simm.s32 $execute0_lowered;
	[smem:$0x3FD2] =	sst s25  }
0xa6: {  	s5 =	sshll.u32 s26, $0x1;
	_ =	strace $0x80000046;
	[dreg:$0x1] =	wrdreg $0xFFFFFFFF  }
0xa7: {  	s28 =	simm.s32 $_size_execute0_lowered;
	s3 =	sadd.s32 s3, s5;
	[dreg:$0x0] =	wrdreg $0x0  }
0xa8: {  	s5 =	sshll.u32 s28, $0x1;
	[dreg:$0x2] =	wrdreg s3  }
0xa9: {  	[dreg:$0x3] =	wrdreg s5  }
0xaa: {  	[dreg:$0x4] =	wrdreg $0xC0  }
0xab: {  	_ =	task [dreg:s7], $0x5FFFF  }
0xac: {  	[dreg:$0x1] =	wrdreg $0xFFFFFFFF  }
0xad: {  	[dreg:$0x0] =	wrdreg $0x60  }
0xae: {  	[dreg:$0x2] =	wrdreg s2  }
0xaf: {  	[dreg:$0x3] =	wrdreg s24  }
0xb0: {  	[dreg:$0x4] =	wrdreg $0x9  }
0xb1: {  	_ =	task.clear_ibuf [dreg:s7], $0x5FFFF;
	_ =	strace $0x90000046  }
0xb2: {  	s29 =	simm.s32 $0x9;
	_ =	strace $0x80000048  }
0xb3: {  	_ =	swait.ge [sflag:s29], $0x1  }
0xb4: {  	[sflag:s29] =	ssyncadd.s32 $0xFFFFFFFF  }
0xb5: {  	_ =	strace $0x90000048  }
0xb6: {  	_ =	sfence  }
0xb7: {  	s30 =	sld [smem:$0x0];
	_ =	sdelay $0x2  }
0xb8: {  	s31 =	sshll.u32 s1, $0xD;
	s1 =	sshrl.u32 s1, $0x2  }
0xb9: {  	s3 =	sand.u32 $0x4000, s31;
	s1 =	sadd.s32 s1, s30  }
0xba: {  	s0 =	sor.u32 s3, s0;
	s1 =	sshll.u32 s1, $0x11  }
0xbb: {  	s0 =	sor.u32 s1, s0  }
0xbc: {  	s0 =	sadd.s32 $0x8F2B, s0  }
0xbd: {  	[sflag:s0] =	ssyncadd.remote.s32 $0x1  }
0xbe: {  	_ =	sfence.sel $0xFFFF  }
0xbf: {  	[dreg:$0x0] =	wrdreg $0xFFFFFFFF;
	(pc) =	sbr.abs _section_cstart, $3  }
0xc0: {  	[dreg:$0x1] =	wrdreg $0xFFFFFFFF  }
0xc1: {  	_ =	task.clear_ibuf [dreg:s7], $0x2FFFF;
	_ =	strace $0x9FFFFFFF  }
0xc2: {  	(tm) =	ssettm $0x7FFFFFFF  }
0xc3: {  	_ =	shalt  }
tec
execute0_lowered:
.L_overlay_start_1:
0x0: {  	(tag) =	ssettag $0x1  }
0x1: {  	s3 =	rddreg [dreg:$0x0]  }
0x2: {  	s4 =	rddreg [dreg:$0x1]  }
0x3: {  	s0 =	rddreg [dreg:$0x2];
	s5 =	srdreg.scid  }
0x4: {  	s2 =	simm.s32 $0x0;
	s1 =	stileid.u32;
	v0 =	vlaneseq.u32;
	s8 =	simm.s32 $0x0  }
0x5: {  	s5 =	sand.u32 $0x1, s5;
	s6 =	sshll.u32 s1, $0xB;
	v0 =	vmul.u32 $0x8, v0;
	[smem:$0x7FF] =	sst s2  }
0x6: {  	s7 =	sshll.u32 s5, $0xA;
	s5 =	ssub.s32 $0x2, s5;
	_ =	strace $0x80000047  }
0x7: {  	v8 =	vimm.s32 $0x0;
	s6 =	sor.u32 s7, s6;
	s31 =	sshrl.u32 s5, $0x1;
	v1 =	vor.u32 $0x1, v0;
	s7 =	simm.s32 $0x2000  }
0x8: {  	v2 =	vor.u32 $0x2, v0;
	v3 =	vor.u32 $0x3, v0;
	v4 =	vor.u32 $0x4, v0;
	s4 =	sadd.s32 s6, s4;
	s5 =	ssub.s32 s5, s31;
	s3 =	sadd.s32 s3, s6  }
0x9: {  	v5 =	vor.u32 $0x5, v0;
	v6 =	vor.u32 $0x6, v0;
	v7 =	vor.u32 $0x7, v0;
	s6 =	simm.s32 $0x1;
	s4 =	sadd.s32 $0x1600, s4;
	s5 =	smax.u32 s5, $0x1  }
.LBB2_1:
0xa: {  	[tilespmem:s2], [sflag:$0x1] =	stream.linear.gather [hbm4b:s3+s2], $0x2000, $0x38;
	[tilespmem:$0x4000] =	vst v63  }
0xb: {  	_ =	swait.ge [sflag:s6], $0x2000  }
0xc: {  	[sflag:s6] =	ssyncset.done $0x0  }
0xd: {  	s9 =	simm.s32 $0x0;
	[sflag:s6] =	ssyncadd.s32 $0xFFFFE000  }
.LBB2_2:
0xe: {  	v16 =	vor.u32 s9, v0  }
0xf: {  	v15 =	vor.u32 s9, v1;
	_ =	sdelay $0x1  }
0x10: {  	v14 =	vor.u32 s9, v2;
	_ =	sdelay $0x1  }
0x11: {  	v13 =	vor.u32 s9, v3;
	v20 =	vld.idx.msk [tilespmem:v16+s2+$0x0], $0xffff  }
0x12: {  	v21 =	vld.idx.msk [tilespmem:v15+s2+$0x0], $0xffff  }
0x13: {  	v12 =	vor.u32 s9, v4  }
0x14: {  	v22 =	vld.idx.msk [tilespmem:v14+s2+$0x0], $0xffff  }
0x15: {  	v10 =	vor.u32 s9, v5  }
0x16: {  	v23 =	vld.idx.msk [tilespmem:v13+s2+$0x0], $0xffff  }
0x17: {  	v9 =	vor.u32 s9, v6;
	vm1 =	vgt.f32 v21, v20  }
0x18: {  	v24 =	vld.idx.msk [tilespmem:v12+s2+$0x0], $0xffff;
	v17 =	vsel vm1, v21, v20  }
0x19: {  	v11 =	vor.u32 s9, v7;
	vm2 =	vgt.f32 v22, v17  }
0x1a: {  	v25 =	vld.idx.msk [tilespmem:v10+s2+$0x0], $0xffff;
	v17 =	vsel vm2, v22, v17  }
0x1b: {  	vm3 =	vgt.f32 v23, v17  }
0x1c: {  	v19 =	vld.idx.msk [tilespmem:v9+s2+$0x0], $0xffff;
	v17 =	vsel vm3, v23, v17  }
0x1d: {  	vm4 =	vgt.f32 v24, v17  }
0x1e: {  	v18 =	vld.idx.msk [tilespmem:v11+s2+$0x0], $0xffff;
	v17 =	vsel vm4, v24, v17  }
0x1f: {  	vm5 =	vgt.f32 v25, v17  }
0x20: {  	v17 =	vsel vm5, v25, v17  }
0x21: {  	vm10 =	vgt.f32 v19, v17  }
0x22: {  	v27 =	vsel vm1, $0x1, v8;
	v17 =	vsel vm10, v19, v17  }
0x23: {  	v27 =	vsel vm2, $0x2, v27;
	vm0 =	vgt.f32 v18, v17  }
0x24: {  	v27 =	vsel vm3, $0x3, v27;
	vm0 =	vmneg vm0  }
0x25: {  	v27 =	vsel vm4, $0x4, v27;
	v17 =	vsel vm0, v17, v18  }
0x26: {  	v27 =	vsel vm5, $0x5, v27;
	v26 =	vsub.f32 v20, v17  }
0x27: {  	v27 =	vsel vm10, $0x6, v27  }
0x28: {  	v27 =	vnsel vm0, $0x7, v27;
	vm10 =	vmand vm10, vm0;
	v26 =	vmul.f32 $1.442695020e+00, v26  }
0x29: {  	v29 =	vsub.f32 v21, v17;
	vm1 =	veq.s32 v27, $0x0;
	v32 =	vsub.f32 v22, v17  }
0x2a: {  	vm2 =	veq.s32 v27, $0x1;
	vm3 =	veq.s32 v27, $0x2;
	v26 =	vmax.f32 v26, $-1.260000000e+02  }
0x2b: {  	vm4 =	veq.s32 v27, $0x3;
	vm5 =	veq.s32 v27, $0x4;
	v28 =	vadd.f32 $1.258291200e+07, v26  }
0x2c: {  	vm6 =	veq.s32 v27, $0x5;
	v43 =	vsub.f32 v19, v17;
	v19 =	vsel vm10, $0xFF61B1E6, v19  }
0x2d: {  	v45 =	vsub.f32 v18, v17;
	v29 =	vmul.f32 $1.442695020e+00, v29;
	v28 =	vadd.f32 $-1.258291200e+07, v28  }
0x2e: {  	v18 =	vnsel vm0, $0xFF61B1E6, v18;
	v20 =	vsel vm1, $0xFF61B1E6, v20;
	v21 =	vsel vm2, $0xFF61B1E6, v21  }
0x2f: {  	v22 =	vsel vm3, $0xFF61B1E6, v22;
	v29 =	vmax.f32 v29, $-1.260000000e+02;
	v26 =	vsub.f32 v26, v28  }
0x30: {  	v53 =	vsel vm4, $0xFF61B1E6, v23;
	v56 =	vsel vm5, $0xFF61B1E6, v24;
	v31 =	vadd.f32 $1.258291200e+07, v29  }
0x31: {  	v23 =	vsub.f32 v23, v17;
	v60 =	vsel vm6, $0xFF61B1E6, v25;
	v30 =	vmul.f32 $1.540352970e-04, v26  }
0x32: {  	v24 =	vsub.f32 v24, v17;
	v32 =	vmul.f32 $1.442695020e+00, v32;
	v31 =	vadd.f32 $-1.258291200e+07, v31  }
0x33: {  	v25 =	vsub.f32 v25, v17;
	vm11 =	vgt.f32 v20, $-3.000000010e+38;
	v30 =	vadd.f32 $1.333355790e-03, v30  }
0x34: {  	v23 =	vmul.f32 $1.442695020e+00, v23;
	v32 =	vmax.f32 v32, $-1.260000000e+02;
	v29 =	vsub.f32 v29, v31  }
0x35: {  	v24 =	vmul.f32 $1.442695020e+00, v24;
	v33 =	vadd.f32 $1.258291200e+07, v32;
	v30 =	vmul.f32 v30, v26  }
0x36: {  	v20 =	vnsel vm11, $0xFF61B1E6, v20;
	v25 =	vmul.f32 $1.442695020e+00, v25;
	v52 =	vmul.f32 $1.540352970e-04, v29  }
0x37: {  	vm7 =	vgt.f32 v21, v20;
	v33 =	vadd.f32 $-1.258291200e+07, v33;
	v30 =	vadd.f32 $9.618128650e-03, v30  }
0x38: {  	v20 =	vsel vm7, v21, v20;
	v23 =	vmax.f32 v23, $-1.260000000e+02;
	v21 =	vadd.f32 $1.333355790e-03, v52  }
0x39: {  	v24 =	vmax.f32 v24, $-1.260000000e+02;
	v32 =	vsub.f32 v32, v33;
	v30 =	vmul.f32 v30, v26  }
0x3a: {  	v25 =	vmax.f32 v25, $-1.260000000e+02;
	v59 =	vadd.f32 $1.258291200e+07, v23;
	v21 =	vmul.f32 v21, v29  }
0x3b: {  	v35 =	vadd.f32 $1.258291200e+07, v24;
	v34 =	vmul.f32 $1.540352970e-04, v32;
	v30 =	vadd.f32 $5.550410970e-02, v30  }
0x3c: {  	vm8 =	vgt.f32 v22, v20;
	v39 =	vadd.f32 $1.258291200e+07, v25;
	v21 =	vadd.f32 $9.618128650e-03, v21  }
0x3d: {  	v20 =	vsel vm8, v22, v20;
	v55 =	vadd.f32 $1.333355790e-03, v34;
	v30 =	vmul.f32 v30, v26  }
0x3e: {  	vm9 =	vgt.f32 v53, v20;
	v27 =	vadd.f32 $-1.258291200e+07, v59;
	v21 =	vmul.f32 v21, v29  }
0x3f: {  	v38 =	vadd.f32 $-1.258291200e+07, v35;
	v54 =	vadd.f32 $2.402265070e-01, v30;
	v30 =	vmul.f32 v55, v32  }
0x40: {  	v42 =	vadd.f32 $-1.258291200e+07, v39;
	v28 =	vtrunc.f32 v28;
	v21 =	vadd.f32 $5.550410970e-02, v21  }
0x41: {  	v61 =	vtrunc.f32 v31;
	v22 =	vmul.f32 v54, v26;
	v57 =	vadd.f32 $9.618128650e-03, v30  }
0x42: {  	v20 =	vsel vm9, v53, v20;
	v31 =	vmul.f32 $1.442695020e+00, v45;
	v21 =	vmul.f32 v21, v29  }
0x43: {  	vm11 =	vgt.f32 v56, v20;
	v22 =	vadd.f32 $6.931471820e-01, v22;
	v58 =	vmul.f32 v57, v32  }
0x44: {  	v28 =	vcvt.f32.s32 v28;
	v23 =	vsub.f32 v23, v27;
	v21 =	vadd.f32 $2.402265070e-01, v21  }
0x45: {  	v24 =	vsub.f32 v24, v38;
	v22 =	vmul.f32 v22, v26;
	v26 =	vadd.f32 $5.550410970e-02, v58  }
0x46: {  	v25 =	vsub.f32 v25, v42;
	v62 =	vmul.f32 $1.540352970e-04, v23;
	v21 =	vmul.f32 v21, v29  }
0x47: {  	v27 =	vtrunc.f32 v27;
	v20 =	vsel vm11, v56, v20;
	v26 =	vmul.f32 v26, v32  }
0x48: {  	v31 =	vmax.f32 v31, $-1.260000000e+02;
	v63 =	vadd.f32 $1.333355790e-03, v62;
	v21 =	vadd.f32 $6.931471820e-01, v21  }
0x49: {  	v27 =	vcvt.f32.s32 v27;
	v28 =	vshll.u32 v28, $0x17;
	v26 =	vadd.f32 $2.402265070e-01, v26  }
0x4a: {  	v21 =	vmul.f32 v21, v29;
	v29 =	vmul.f32 v63, v23;
	v22 =	vadd.f32 $1.000000000e+00, v22  }
0x4b: {  	vm12 =	vgt.f32 v60, v20;
	v28 =	vadd.s32 $0x3F800000, v28;
	v26 =	vmul.f32 v26, v32  }
0x4c: {  	v29 =	vadd.f32 $9.618128650e-03, v29;
	v22 =	vmul.f32 v28, v22;
	v28 =	vcvt.f32.s32 v61  }
0x4d: {  	v44 =	vmul.f32 $1.540352970e-04, v24;
	v34 =	vtrunc.f32 v33;
	v26 =	vadd.f32 $6.931471820e-01, v26  }
0x4e: {  	v21 =	vadd.f32 $1.000000000e+00, v21;
	v36 =	vmul.f32 v29, v23;
	v28 =	vshll.u32 v28, $0x17  }
0x4f: {  	v30 =	vcvt.f32.s32 v34;
	v28 =	vadd.s32 $0x3F800000, v28;
	v26 =	vmul.f32 v26, v32  }
0x50: {  	v46 =	vmul.f32 $1.540352970e-04, v25;
	v21 =	vmul.f32 v28, v21;
	v28 =	vadd.f32 $5.550410970e-02, v36  }
0x51: {  	v51 =	vadd.f32 $1.258291200e+07, v31;
	v37 =	vshll.u32 v30, $0x17;
	v26 =	vadd.f32 $1.000000000e+00, v26  }
0x52: {  	v29 =	vadd.s32 $0x3F800000, v37;
	v22 =	vadd.f32 $0.0e+00, v22;
	v41 =	vmul.f32 v28, v23  }
0x53: {  	v20 =	vsel vm12, v60, v20;
	v40 =	vmul.f32 v29, v26;
	v29 =	vmul.f32 $1.442695020e+00, v43  }
0x54: {  	v27 =	vshll.u32 v27, $0x17;
	v49 =	vadd.f32 $1.333355790e-03, v46;
	v21 =	vadd.f32 v22, v21  }
0x55: {  	v22 =	vadd.f32 $1.333355790e-03, v44;
	v26 =	vadd.f32 $2.402265070e-01, v41;
	v29 =	vmax.f32 v29, $-1.260000000e+02  }
0x56: {  	vm13 =	vgt.f32 v19, v20;
	v53 =	vadd.f32 $-1.258291200e+07, v51;
	v47 =	vadd.f32 $1.258291200e+07, v29  }
0x57: {  	v19 =	vsel vm13, v19, v20;
	v22 =	vmul.f32 v22, v24;
	v26 =	vmul.f32 v26, v23  }
0x58: {  	v27 =	vadd.s32 $0x3F800000, v27;
	vm14 =	vgt.f32 v18, v19;
	v50 =	vadd.f32 $-1.258291200e+07, v47  }
0x59: {  	vm14 =	vmneg vm14;
	v22 =	vadd.f32 $9.618128650e-03, v22;
	v48 =	vadd.f32 $6.931471820e-01, v26  }
0x5a: {  	v18 =	vsel vm14, v19, v18;
	v26 =	vmul.f32 v49, v25;
	v52 =	vsub.f32 v29, v50  }
0x5b: {  	v17 =	vsub.f32 v18, v17;
	v22 =	vmul.f32 v22, v24;
	v20 =	vmul.f32 v48, v23  }
0x5c: {  	v31 =	vsub.f32 v31, v53;
	v26 =	vadd.f32 $9.618128650e-03, v26;
	v54 =	vmul.f32 $1.540352970e-04, v52  }
0x5d: {  	v17 =	vmul.f32 $1.442695020e+00, v17;
	v22 =	vadd.f32 $5.550410970e-02, v22;
	v20 =	vadd.f32 $1.000000000e+00, v20  }
0x5e: {  	v55 =	vmul.f32 $1.540352970e-04, v31;
	v26 =	vmul.f32 v26, v25;
	v33 =	vadd.f32 $1.333355790e-03, v54  }
0x5f: {  	v22 =	vmul.f32 v22, v24;
	v20 =	vmul.f32 v27, v20  }
0x60: {  	v26 =	vadd.f32 $5.550410970e-02, v26;
	v27 =	vadd.f32 $1.333355790e-03, v55;
	v33 =	vmul.f32 v33, v52  }
0x61: {  	v17 =	vmax.f32 v17, $-1.260000000e+02;
	v22 =	vadd.f32 $2.402265070e-01, v22  }
0x62: {  	v26 =	vmul.f32 v26, v25;
	v57 =	vmul.f32 v27, v31;
	v33 =	vadd.f32 $9.618128650e-03, v33  }
0x63: {  	v34 =	vadd.f32 $1.258291200e+07, v17;
	v22 =	vmul.f32 v22, v24  }
0x64: {  	v56 =	vadd.f32 $2.402265070e-01, v26;
	v26 =	vadd.f32 $9.618128650e-03, v57;
	v59 =	vmul.f32 v33, v52  }
0x65: {  	v60 =	vtrunc.f32 v38;
	v36 =	vadd.f32 $-1.258291200e+07, v34;
	v58 =	vadd.f32 $6.931471820e-01, v22  }
0x66: {  	v19 =	vmul.f32 v56, v25;
	v63 =	vmul.f32 v26, v31;
	v22 =	vadd.f32 $5.550410970e-02, v59  }
0x67: {  	v39 =	vtrunc.f32 v53;
	v30 =	vtrunc.f32 v42;
	v17 =	vsub.f32 v17, v36  }
0x68: {  	v62 =	vadd.f32 $6.931471820e-01, v19;
	v19 =	vadd.f32 $5.550410970e-02, v63;
	v22 =	vmul.f32 v22, v52  }
0x69: {  	v61 =	vcvt.f32.s32 v60;
	v21 =	vadd.f32 v21, v40;
	v40 =	vmul.f32 $1.540352970e-04, v17  }
0x6a: {  	v35 =	vtrunc.f32 v50;
	v19 =	vmul.f32 v19, v31;
	v22 =	vadd.f32 $2.402265070e-01, v22  }
0x6b: {  	v38 =	vcvt.f32.s32 v35;
	v20 =	vadd.f32 v21, v20;
	v21 =	vmul.f32 v58, v24  }
0x6c: {  	v24 =	vshll.u32 v61, $0x17;
	v19 =	vadd.f32 $2.402265070e-01, v19;
	v22 =	vmul.f32 v22, v52  }
0x6d: {  	v21 =	vadd.f32 $1.000000000e+00, v21;
	v33 =	vcvt.f32.s32 v30;
	v18 =	vmul.f32 v62, v25  }
0x6e: {  	v24 =	vadd.s32 $0x3F800000, v24;
	v19 =	vmul.f32 v19, v31;
	v22 =	vadd.f32 $6.931471820e-01, v22  }
0x6f: {  	v21 =	vmul.f32 v24, v21;
	v25 =	vshll.u32 v33, $0x17;
	v18 =	vadd.f32 $1.000000000e+00, v18  }
0x70: {  	v25 =	vadd.s32 $0x3F800000, v25;
	v19 =	vadd.f32 $6.931471820e-01, v19;
	v37 =	vmul.f32 v22, v52  }
0x71: {  	v23 =	vcvt.f32.s32 v39;
	v20 =	vadd.f32 v20, v21;
	v18 =	vmul.f32 v25, v18  }
0x72: {  	v19 =	vmul.f32 v19, v31;
	v22 =	vshll.u32 v38, $0x17;
	v21 =	vadd.f32 $1.000000000e+00, v37  }
0x73: {  	v43 =	vadd.f32 $1.333355790e-03, v40;
	v42 =	vshll.u32 v23, $0x17;
	v22 =	vadd.s32 $0x3F800000, v22  }
0x74: {  	v18 =	vadd.f32 v20, v18;
	v19 =	vadd.f32 $1.000000000e+00, v19;
	v41 =	vmul.f32 v22, v21  }
0x75: {  	v21 =	vadd.s32 $0x3F800000, v42  }
0x76: {  	v44 =	vmul.f32 v43, v17;
	v19 =	vmul.f32 v21, v19;
	v18 =	vadd.f32 v18, v41;
	_ =	sdelay $0x1  }
0x77: {  	v45 =	vadd.f32 $9.618128650e-03, v44;
	v18 =	vadd.f32 v18, v19;
	_ =	sdelay $0x1  }
0x78: {  	v19 =	vmul.f32 v45, v17;
	(erf) = vrcp.f32 v18;
	_ =	sdelay $0x1  }
0x79: {  	v19 =	vadd.f32 $5.550410970e-02, v19;
	_ =	sdelay $0x1  }
0x7a: {  	v19 =	vmul.f32 v19, v17;
	_ =	sdelay $0x1  }
0x7b: {  	v19 =	vadd.f32 $2.402265070e-01, v19;
	_ =	sdelay $0x1  }
0x7c: {  	v19 =	vmul.f32 v19, v17  }
0x7d: {  	v46 =	vpop (erf)  }
0x7e: {  	v48 =	vtrunc.f32 v36;
	v19 =	vadd.f32 $6.931471820e-01, v19;
	v18 =	vmul.f32 v46, v18  }
0x7f: {  	v47 =	vsel vm7, $0x1, v8;
	v22 =	vcvt.f32.s32 v48  }
0x80: {  	v21 =	vsel vm8, $0x2, v47;
	v17 =	vmul.f32 v19, v17;
	v18 =	vsub.f32 $1.000000000e+00, v18  }
0x81: {  	v49 =	vsel vm9, $0x3, v21  }
0x82: {  	v50 =	vshll.u32 v22, $0x17;
	v17 =	vadd.f32 $1.000000000e+00, v17;
	v18 =	vmul.f32 v18, v46  }
0x83: {  	v21 =	vadd.s32 $0x3F800000, v50;
	v19 =	vsel vm11, $0x4, v49  }
0x84: {  	v19 =	vsel vm12, $0x5, v19;
	v17 =	vmul.f32 v21, v17;
	v18 =	vadd.f32 v18, v46  }
0x85: {  	v19 =	vsel vm13, $0x6, v19  }
0x86: {  	v19 =	vnsel vm14, $0x7, v19;
	v17 =	vmul.f32 v17, v18  }
0x87: {  	vm12 =	veq.s32 v19, $0x0  }
0x88: {  	vm15 =	veq.s32 v19, $0x1;
	v51 =	vnsel vm12, $0x0, v17  }
0x89: {  	vm8 =	veq.s32 v19, $0x2;
	v52 =	vnsel vm15, $0x0, v17;
	v20 =	vsel vm1, v18, v51  }
0x8a: {  	vm9 =	veq.s32 v19, $0x3;
	v54 =	vnsel vm8, $0x0, v17;
	v53 =	vsel vm2, v18, v52;
	[tilespmem:v16+s7+$0x0] =	vst.idx.msk $0xffff, v20  }
0x8b: {  	vm11 =	veq.s32 v19, $0x4;
	v56 =	vnsel vm9, $0x0, v17;
	v55 =	vsel vm3, v18, v54;
	[tilespmem:v15+s7+$0x0] =	vst.idx.msk $0xffff, v53  }
0x8c: {  	p0 =	sne.s32 s9, $0x1F80;
	v58 =	vnsel vm11, $0x0, v17;
	vm12 =	veq.s32 v19, $0x5;
	v57 =	vsel vm4, v18, v56;
	[tilespmem:v14+s7+$0x0] =	vst.idx.msk $0xffff, v55  }
.Ltmp0:
0x8d: {  	vm15 =	vmand vm13, vm14;
	v59 =	vsel vm5, v18, v58;
	v60 =	vnsel vm12, $0x0, v17;
	[tilespmem:v13+s7+$0x0] =	vst.idx.msk $0xffff, v57;
	(pc) =	sbr.rel @p0 .LBB2_2-.Ltmp0, $4  }
0x8e: {  	v62 =	vnsel vm15, $0x0, v17;
	v61 =	vsel vm6, v18, v60;
	[tilespmem:v12+s7+$0x0] =	vst.idx.msk $0xffff, v59  }
0x8f: {  	v63 =	vsel vm14, $0x0, v17;
	[tilespmem:v10+s7+$0x0] =	vst.idx.msk $0xffff, v61;
	v10 =	vsel vm10, v18, v62  }
0x90: {  	[tilespmem:v9+s7+$0x0] =	vst.idx.msk $0xffff, v10;
	v9 =	vsel vm0, v63, v18  }
0x91: {  	s9 =	sadd.s32 $0x80, s9;
	[tilespmem:v11+s7+$0x0] =	vst.idx.msk $0xffff, v9  }
0x92: {  	s8 =	sadd.s32 $0x1, s8  }
0x93: {  	p0 =	sne.s32 s8, s5  }
.Ltmp1:
0x94: {  	_ = 	snop;
	(pc) =	sbr.rel @p0 .LBB2_1-.Ltmp1, $4  }
0x95: {  	[hbm4b:s4+s2] =	stream.linear.scatter [tilespmem:s7], [sflag:$0x1], $0x2000, $0x38;
	[tilespmem:$0x4000] =	vst v63  }
0x96: {  	_ =	swait.ge [sflag:s6], $0x2000  }
0x97: {  	[sflag:s6] =	ssyncset.done $0x0  }
0x98: {  	[sflag:s6] =	ssyncadd.s32 $0xFFFFE000  }
0x99: {  	_ =	sfence.sel $0x180000  }
0x9a: {  	[bflag:$0x0] =	sbarrier.arrive $0xFFFF  }
0x9b: {  	p0 =	sne.s32 s1, $0x0;
	_ =	strace $0x90000047  }
0x9c: {  	s0 =	sadd.s32 @!p0 $0x100000, s0;
	[bflag:$0x2] =	sbarrier.arrive $0xFFFF  }
0x9d: {  	[sflag:s0] =	ssyncadd.tile.s32 @!p0 $0x1;
	_ =	shalt  }
.Lfunc_end2:
_tile_overlayer_lowered:
.L_overlay_start_2:
0x9e: {  	(tag) =	ssettag $0x2  }
0x9f: {  	s0 =	rddreg [dreg:$0x0];
	s2 =	stileid.u32  }
0xa0: {  	s1 =	rddreg [dreg:$0x1];
	p0 =	sne.s32 s2, $0x0  }
0xa1: {  	s3 =	rddreg [dreg:$0x2];
	[bflag:$0x3] =	sbarrier.arrive $0xFFFF;
	s2 =	simm.s32 @!p0 $0x1C01  }
0xa2: {  	[timem:s3], [sflag:s2] =	dma.local @!p0 [hbm:s0], s1  }
0xa3: {  	s0 =	simm.s32 @!p0 $0x1  }
0xa4: {  	_ =	swait.ge @!p0 [sflag:s0], s1  }
0xa5: {  	s1 =	ssub.s32 @!p0 $0x0, s1;
	[sflag:s0] =	ssyncset.done @!p0 $0x0  }
0xa6: {  	[sflag:s0] =	ssyncadd.s32 @!p0 s1  }
0xa7: {  	[bflag:$0x3] =	sbarrier.arrive $0xFFFF  }
0xa8: {  	_ =	shalt  }

</sc_bundles>
